<compile_context>
chip_gen: v7x
topology: tpu7x:2x2x1
jax: 0.10.2.dev20260603
libtpu: 0.0.44.dev20260713+nightly
codegen_flags: <defaults>
</compile_context>

<pallas_src>
import functools

import jax
import jax.numpy as jnp
from jax import lax
from jax.experimental import pallas as pl
from jax.experimental.pallas import tpu as pltpu
from jax.experimental.pallas import tpu_sc as plsc

NC = 2
NS = 16
NW = NC * NS
L = 16
B_A = 64
B_B = 64
DEPTH = 2


def _sc_mesh():
    return plsc.VectorSubcoreMesh(
        core_axis_name="c", subcore_axis_name="s", num_cores=NC,
        num_subcores=NS)


def _make_pass(n_pad, ch, d, bsz, mode):
    rps = n_pad // NS
    dep = 2
    assert ch % dep == 0

    scratch = [
        pltpu.VMEM((2, bsz), jnp.int32),
        pltpu.VMEM((2, bsz), jnp.int32),
        pltpu.VMEM((bsz, d), jnp.float32),
        pltpu.VMEM((bsz, d), jnp.float32),
        pltpu.VMEM((n_pad,), jnp.float32),
    ]
    if mode == 'b':
        scratch.append(pltpu.VMEM((n_pad,), jnp.float32))
    scratch += [
        pltpu.VMEM_SHARED((n_pad, d), jnp.float32),
        pltpu.SemaphoreType.DMA,
        pltpu.SemaphoreType.DMA,
    ]

    def body(*refs):
        if mode == 'a':
            (x_hbm, edges_hbm, zero_d_hbm, zero_1_hbm,
             sums_out, vec_out) = refs[:6]
            scr = refs[6:]
        else:
            (x_hbm, inv_hbm, edges_hbm, zero_d_hbm, zero_1_hbm,
             sums_out, vec_out) = refs[:7]
            scr = refs[7:]
        idxb = [scr[0], scr[1]]
        rows = [scr[2], scr[3]]
        vec_v = scr[4]
        pos = 5
        if mode == 'b':
            inv_v = scr[pos]
            pos += 1
        sum_acc = scr[pos]
        sems = [scr[pos + 1], scr[pos + 2]]

        c = lax.axis_index("c")
        s = lax.axis_index("s")
        wid = s * NC + c
        stripe = pl.ds(s * rps, rps)

        pltpu.sync_copy(zero_d_hbm.at[stripe], sum_acc.at[stripe])
        pltpu.sync_copy(zero_1_hbm, vec_v)
        if mode == 'b':
            pltpu.sync_copy(inv_hbm, inv_v)
        plsc.subcore_barrier()

        ones = jnp.ones((L,), jnp.float32)
        dummy = zero_d_hbm.at[pl.ds(0, bsz)]

        def regop(t):
            def grp(g, _):
                dv = idxb[t][1, pl.ds(g * L, L)]
                if mode == 'a':
                    plsc.addupdate_scatter(vec_v, [dv], ones)
                else:
                    sv = idxb[t][0, pl.ds(g * L, L)]
                    vals = plsc.load_gather(inv_v, [dv])
                    plsc.addupdate_scatter(vec_v, [sv], vals)
                return 0
            lax.fori_loop(0, bsz // L, grp, 0)

        def fetch(t, k):
            pltpu.sync_copy(edges_hbm.at[wid, k], idxb[t])
            pltpu.async_copy(x_hbm.at[idxb[t].at[0]], rows[t], sems[t])

        fetch(0, 0)

        def block(q, _):
            for t in range(dep):
                k = q * dep + t
                fetch((t + 1) % dep, lax.rem(k + 1, ch))
                regop(t)
                pltpu.make_async_copy(dummy, rows[t], sems[t]).wait()
                pltpu.sync_copy(rows[t], sum_acc.at[idxb[t].at[1]],
                                add=True)
            return 0
        lax.fori_loop(0, ch // dep, block, 0)
        pltpu.make_async_copy(dummy, rows[0], sems[0]).wait()

        plsc.subcore_barrier()
        pltpu.sync_copy(sum_acc.at[stripe], sums_out.at[c, stripe])
        pltpu.sync_copy(vec_v, vec_out.at[wid])

    return pl.kernel(
        body,
        out_type=[
            jax.ShapeDtypeStruct((NC, n_pad, d), jnp.float32),
            jax.ShapeDtypeStruct((NW, n_pad), jnp.float32),
        ],
        mesh=_sc_mesh(),
        compiler_params=pltpu.CompilerParams(needs_layout_passes=False),
        scratch_types=scratch,
    )


def _layer_body(make_inv, n, n_pad,
                x_ref, sums_ref, degs_ref, ws_ref, wn_ref, b_ref, g_ref,
                be_ref, *out_refs):
    x = x_ref[...]
    summed = sums_ref[0, :n, :] + sums_ref[1, :n, :]
    deg_full = jnp.sum(degs_ref[...], axis=0)
    deg = deg_full[:n, None]
    agg = jnp.where(deg > 0, summed / jnp.maximum(deg, 1.0), 0.0)
    t = (jnp.dot(x, ws_ref[...], preferred_element_type=jnp.float32)
         + jnp.dot(agg, wn_ref[...], preferred_element_type=jnp.float32)
         + b_ref[...])
    m = jnp.mean(t, axis=0, keepdims=True)
    v = jnp.mean(jnp.square(t - m), axis=0, keepdims=True)
    h = g_ref[...] * (t - m) * lax.rsqrt(v + 1e-5) + be_ref[...]
    out_refs[0][...] = jnp.maximum(h, 0.0)
    if make_inv:
        row = lax.iota(jnp.int32, n_pad)
        inv = jnp.where(row < n, 1.0 / jnp.maximum(deg_full, 1.0), 0.0)
        out_refs[1][...] = inv


def _final_body(n, feat_ref, cv_ref, ws_ref, wn_ref, b_ref, out_ref):
    feat = feat_ref[...]
    cvec = jnp.sum(cv_ref[...], axis=0)[:n, None]
    sacc = jnp.sum(feat * cvec, axis=0, keepdims=True)
    mf = jnp.mean(feat, axis=0, keepdims=True)
    o = (jnp.dot(mf, ws_ref[...], preferred_element_type=jnp.float32)
         + jnp.dot(sacc / n, wn_ref[...], preferred_element_type=jnp.float32)
         + b_ref[...])
    z = o - jnp.max(o, axis=-1, keepdims=True)
    out_ref[...] = z - jnp.log(jnp.sum(jnp.exp(z), axis=-1, keepdims=True))


def _pad_edges(edge_index, n, e, bsz):
    ch = -(-e // (NW * bsz))
    ch += (-ch) % 2
    e_pad = ch * NW * bsz
    src = edge_index[0]
    dst = edge_index[1]
    pad = e_pad - e
    if pad:
        src = jnp.concatenate([src, jnp.zeros((pad,), jnp.int32)])
        dst = jnp.concatenate([dst, jnp.full((pad,), n, jnp.int32)])
    edges = jnp.stack([src.reshape(NW, ch, bsz),
                       dst.reshape(NW, ch, bsz)], axis=2)
    return edges, ch


def kernel(edge_index, inputs, W_self0, W_neigh0, b0, gamma0, beta0,
           W_self1, W_neigh1, b1, gamma1, beta1, W_self2, W_neigh2, b2):
    n, d = inputs.shape
    e = edge_index.shape[1]
    d_out = W_self2.shape[1]

    n_pad = -(-(n + 1) // (NS * 8)) * (NS * 8)
    edges_a, ch_a = _pad_edges(edge_index, n, e, B_A)
    edges_b, ch_b = _pad_edges(edge_index, n, e, B_B)
    zero_d = jnp.zeros((n_pad, d), jnp.float32)
    zero_1 = jnp.zeros((n_pad,), jnp.float32)

    pass_a = _make_pass(n_pad, ch_a, d, B_A, 'a')
    pass_b = _make_pass(n_pad, ch_b, d, B_B, 'b')

    def layer(x, sums, degs, ws, wn, b, g, be, make_inv):
        outs = [jax.ShapeDtypeStruct((n, d), jnp.float32)]
        if make_inv:
            outs.append(jax.ShapeDtypeStruct((n_pad,), jnp.float32))
        return pl.pallas_call(
            functools.partial(_layer_body, make_inv, n, n_pad),
            out_shape=outs,
        )(x, sums, degs, ws, wn, b, g, be)

    sums_a, degv = pass_a(inputs, edges_a, zero_d, zero_1)
    h1, invd = layer(inputs, sums_a, degv, W_self0, W_neigh0, b0, gamma0,
                     beta0, True)
    sums_b, cv = pass_b(h1, invd, edges_b, zero_d, zero_1)
    (feat,) = layer(h1, sums_b, degv, W_self1, W_neigh1, b1, gamma1,
                    beta1, False)
    out = pl.pallas_call(
        functools.partial(_final_body, n),
        out_shape=jax.ShapeDtypeStruct((1, d_out), jnp.float32),
    )(feat, cv, W_self2, W_neigh2, b2)
    return out, inputs, feat

# --- scband reference (transcript-rebuilt; emitter-appended) ---
"""Pipeline reference for scband-pool-sage-644245095092 (READ-ONLY COPY).

The authoritative reference and input builder live on the scoring server;
editing this copy changes nothing except your own understanding.
"""

import jax, jax.numpy as jnp
import numpy as np

N = 10000
E = 320000
D_IN = 128
D_H = 128
D_OUT = 64


def setup_inputs(seed: int = 0) -> dict:
    key = jax.random.key(seed)
    ks = jax.random.split(key, 16)
    inp = {}
    inp['edge_index'] = jax.random.randint(ks[0], (2, E), 0, N, dtype=jnp.int32)
    inp['inputs'] = jax.random.normal(ks[1], (N, D_IN), dtype=jnp.float32)
    s_in = 1.0 / np.sqrt(D_IN)
    s_h = 1.0 / np.sqrt(D_H)
    inp['W_self0'] = jax.random.normal(ks[2], (D_IN, D_H), dtype=jnp.float32) * s_in
    inp['W_neigh0'] = jax.random.normal(ks[3], (D_IN, D_H), dtype=jnp.float32) * s_in
    inp['b0'] = jnp.zeros((D_H,), dtype=jnp.float32)
    inp['gamma0'] = jnp.ones((D_H,), dtype=jnp.float32)
    inp['beta0'] = jnp.zeros((D_H,), dtype=jnp.float32)
    inp['W_self1'] = jax.random.normal(ks[4], (D_H, D_H), dtype=jnp.float32) * s_h
    inp['W_neigh1'] = jax.random.normal(ks[5], (D_H, D_H), dtype=jnp.float32) * s_h
    inp['b1'] = jnp.zeros((D_H,), dtype=jnp.float32)
    inp['gamma1'] = jnp.ones((D_H,), dtype=jnp.float32)
    inp['beta1'] = jnp.zeros((D_H,), dtype=jnp.float32)
    inp['W_self2'] = jax.random.normal(ks[6], (D_H, D_OUT), dtype=jnp.float32) * s_h
    inp['W_neigh2'] = jax.random.normal(ks[7], (D_H, D_OUT), dtype=jnp.float32) * s_h
    inp['b2'] = jnp.zeros((D_OUT,), dtype=jnp.float32)
    return inp


def _sage_conv(x, src, dst, W_self, W_neigh, b):
    # DGL SAGEConv, aggregator_type='mean': fc_self(x) + fc_neigh(mean of in-neighbor feats)
    msg = jnp.take(x, src, axis=0)
    summed = jax.ops.segment_sum(msg, dst, num_segments=N)
    deg = jax.ops.segment_sum(jnp.ones((src.shape[0], 1), x.dtype), dst, num_segments=N)
    agg = jnp.where(deg > 0, summed / jnp.maximum(deg, 1.0), 0.0)
    return x @ W_self + agg @ W_neigh + b


def _bn(x, gamma, beta, eps=1e-5):
    m = jnp.mean(x, axis=0)
    v = jnp.var(x, axis=0)
    return gamma * (x - m) / jnp.sqrt(v + eps) + beta


def reference(edge_index, inputs, W_self0, W_neigh0, b0, gamma0, beta0, W_self1, W_neigh1, b1, gamma1, beta1, W_self2, W_neigh2, b2):
    src = edge_index[0]
    dst = edge_index[1]
    x = inputs  # in_sparse_feat_channels is None -> no sparse feature encoder
    first_l_x = x
    h = _sage_conv(x, src, dst, W_self0, W_neigh0, b0)
    h = jax.nn.relu(_bn(h, gamma0, beta0))
    # dropout p=0.0 -> identity
    h = _sage_conv(h, src, dst, W_self1, W_neigh1, b1)
    h = jax.nn.relu(_bn(h, gamma1, beta1))
    feat = h
    out = _sage_conv(feat, src, dst, W_self2, W_neigh2, b2)
    out = jnp.mean(out, axis=0, keepdims=True)
    return (jax.nn.log_softmax(out, axis=-1), first_l_x, feat)

if __name__ == "__main__":
    import jax
    _d = setup_inputs()
    print(jax.jit(kernel)(*tuple(_d.values())))

</pallas_src>

<mosaic_0001>
#map = affine_map<(d0, d1) -> (0, 0)>
#map1 = affine_map<(d0, d1) -> (0)>
#map2 = affine_map<(d0, d1) -> (0, 0, 0, 0)>
#map3 = affine_map<(d0, d1) -> (0, 0, 0)>
module attributes {stable_mosaic.version = 14 : i64} {
  func.func @body(%arg0: i32, %arg1: i32, %arg2: memref<10000x128xf32, #tpu.memory_space<hbm>>, %arg3: memref<10112xf32, #tpu.memory_space<hbm>>, %arg4: memref<32x158x2x64xi32, #tpu.memory_space<hbm>>, %arg5: memref<10112x128xf32, #tpu.memory_space<hbm>>, %arg6: memref<10112xf32, #tpu.memory_space<hbm>>, %arg7: memref<2x10112x128xf32, #tpu.memory_space<hbm>>, %arg8: memref<32x10112xf32, #tpu.memory_space<hbm>>, %arg9: memref<2x64xi32, #tpu.memory_space<vmem>>, %arg10: memref<2x64xi32, #tpu.memory_space<vmem>>, %arg11: memref<64x128xf32, #tpu.memory_space<vmem>>, %arg12: memref<64x128xf32, #tpu.memory_space<vmem>>, %arg13: memref<10112xf32, #tpu.memory_space<vmem>>, %arg14: memref<10112xf32, #tpu.memory_space<vmem>>, %arg15: memref<10112x128xf32, #tpu.memory_space<vmem_shared>>, %arg16: memref<!tpu.dma_semaphore, #tpu.memory_space<semaphore_mem>>, %arg17: memref<!tpu.dma_semaphore, #tpu.memory_space<semaphore_mem>>) attributes {dimension_semantics = [#tpu.dimension_semantics<core_parallel>, #tpu.dimension_semantics<subcore_parallel>], iteration_bounds = array<i64: 2, 16>, scalar_prefetch = 0 : i64, scratch_operands = 9 : i64, tpu.core_type = #tpu.core_type<sc_vector_subcore>, window_params = [{transform_indices = #map}, {transform_indices = #map1}, {transform_indices = #map2}, {transform_indices = #map}, {transform_indices = #map1}, {transform_indices = #map3}, {transform_indices = #map}]} {
    %mul3A = arith.constant 2 : i32
    %mul3A_0 = arith.muli %arg1, %mul3A : i32
    %add3A = arith.addi %mul3A_0, %arg0 : i32
    %mul3A_1 = arith.constant 632 : i32
    %mul3A_2 = arith.muli %arg1, %mul3A_1 : i32
    "tpu.region"() ({
      %run_scoped3A_22 = tpu.sem_alloc : memref<!tpu.dma_semaphore, #tpu.memory_space<semaphore_mem>>
      %dma_start3A_23 = arith.constant 0 : i32
      %dma_start3A_24 = tpu.memref_slice %arg15[%mul3A_2, %dma_start3A_23] : memref<10112x128xf32, #tpu.memory_space<vmem_shared>> -> memref<632x128xf32, #tpu.memory_space<vmem_shared>>
      %dma_start3A_25 = arith.constant 0 : i32
      %dma_start3A_26 = tpu.memref_slice %arg5[%mul3A_2, %dma_start3A_25] : memref<10112x128xf32, #tpu.memory_space<hbm>> -> memref<632x128xf32, #tpu.memory_space<hbm>>
      tpu.enqueue_dma source(%dma_start3A_26 : memref<632x128xf32, #tpu.memory_space<hbm>>) target(%dma_start3A_24 : memref<632x128xf32, #tpu.memory_space<vmem_shared>>) target_semaphore(%run_scoped3A_22 : memref<!tpu.dma_semaphore, #tpu.memory_space<semaphore_mem>>)
      %dma_wait3A_27 = arith.constant 0 : i32
      %dma_wait3A_28 = tpu.memref_slice %arg15[%mul3A_2, %dma_wait3A_27] : memref<10112x128xf32, #tpu.memory_space<vmem_shared>> -> memref<632x128xf32, #tpu.memory_space<vmem_shared>>
      %dma_wait3A_29 = arith.constant 0 : i32
      %dma_wait3A_30 = tpu.memref_slice %arg5[%mul3A_2, %dma_wait3A_29] : memref<10112x128xf32, #tpu.memory_space<hbm>> -> memref<632x128xf32, #tpu.memory_space<hbm>>
      tpu.wait_dma2 semaphore(%run_scoped3A_22 : memref<!tpu.dma_semaphore, #tpu.memory_space<semaphore_mem>>) src(%dma_wait3A_30 : memref<632x128xf32, #tpu.memory_space<hbm>>) dst(%dma_wait3A_28 : memref<632x128xf32, #tpu.memory_space<vmem_shared>>)
      tpu.yield
    }) : () -> ()
    "tpu.region"() ({
      %run_scoped3A_22 = tpu.sem_alloc : memref<!tpu.dma_semaphore, #tpu.memory_space<semaphore_mem>>
      tpu.enqueue_dma source(%arg6 : memref<10112xf32, #tpu.memory_space<hbm>>) target(%arg13 : memref<10112xf32, #tpu.memory_space<vmem>>) target_semaphore(%run_scoped3A_22 : memref<!tpu.dma_semaphore, #tpu.memory_space<semaphore_mem>>)
      tpu.wait_dma2 semaphore(%run_scoped3A_22 : memref<!tpu.dma_semaphore, #tpu.memory_space<semaphore_mem>>) src(%arg6 : memref<10112xf32, #tpu.memory_space<hbm>>) dst(%arg13 : memref<10112xf32, #tpu.memory_space<vmem>>)
      tpu.yield
    }) : () -> ()
    "tpu.region"() ({
      %run_scoped3A_22 = tpu.sem_alloc : memref<!tpu.dma_semaphore, #tpu.memory_space<semaphore_mem>>
      tpu.enqueue_dma source(%arg3 : memref<10112xf32, #tpu.memory_space<hbm>>) target(%arg14 : memref<10112xf32, #tpu.memory_space<vmem>>) target_semaphore(%run_scoped3A_22 : memref<!tpu.dma_semaphore, #tpu.memory_space<semaphore_mem>>)
      tpu.wait_dma2 semaphore(%run_scoped3A_22 : memref<!tpu.dma_semaphore, #tpu.memory_space<semaphore_mem>>) src(%arg3 : memref<10112xf32, #tpu.memory_space<hbm>>) dst(%arg14 : memref<10112xf32, #tpu.memory_space<vmem>>)
      tpu.yield
    }) : () -> ()
    %barrier3A = arith.constant 0 : index
    tpu.barrier barrier_id(%barrier3A)
    %broadcast_in_dim3A = arith.constant 1.000000e+00 : f32
    %broadcast_in_dim3A_3 = vector.broadcast %broadcast_in_dim3A : f32 to vector<16xf32>
    %run_scoped3A = arith.constant 0 : i32
    "tpu.region"() ({
      %run_scoped3A_22 = tpu.sem_alloc : memref<!tpu.dma_semaphore, #tpu.memory_space<semaphore_mem>>
      %dma_start3A_23 = arith.constant 0 : i32
      %dma_start3A_24 = arith.constant 0 : i32
      %dma_start3A_25 = tpu.memref_slice %arg4[%add3A, %run_scoped3A, %dma_start3A_23, %dma_start3A_24] : memref<32x158x2x64xi32, #tpu.memory_space<hbm>> -> memref<1x1x2x64xi32, #tpu.memory_space<hbm>>
      %dma_start3A_26 = tpu.memref_squeeze %dma_start3A_25 : memref<1x1x2x64xi32, #tpu.memory_space<hbm>> -> memref<2x64xi32, #tpu.memory_space<hbm>>
      %dma_start3A_27 = arith.constant 0 : i32
      %dma_start3A_28 = arith.constant 0 : i32
      %dma_start3A_29 = tpu.memref_slice %arg4[%add3A, %run_scoped3A, %dma_start3A_27, %dma_start3A_28] : memref<32x158x2x64xi32, #tpu.memory_space<hbm>> -> memref<1x1x2x64xi32, #tpu.memory_space<hbm>>
      %dma_start3A_30 = tpu.memref_squeeze %dma_start3A_29 : memref<1x1x2x64xi32, #tpu.memory_space<hbm>> -> memref<2x64xi32, #tpu.memory_space<hbm>>
      tpu.enqueue_dma source(%dma_start3A_30 : memref<2x64xi32, #tpu.memory_space<hbm>>) target(%arg9 : memref<2x64xi32, #tpu.memory_space<vmem>>) target_semaphore(%run_scoped3A_22 : memref<!tpu.dma_semaphore, #tpu.memory_space<semaphore_mem>>)
      %dma_wait3A_31 = arith.constant 0 : i32
      %dma_wait3A_32 = arith.constant 0 : i32
      %dma_wait3A_33 = tpu.memref_slice %arg4[%add3A, %run_scoped3A, %dma_wait3A_31, %dma_wait3A_32] : memref<32x158x2x64xi32, #tpu.memory_space<hbm>> -> memref<1x1x2x64xi32, #tpu.memory_space<hbm>>
      %dma_wait3A_34 = tpu.memref_squeeze %dma_wait3A_33 : memref<1x1x2x64xi32, #tpu.memory_space<hbm>> -> memref<2x64xi32, #tpu.memory_space<hbm>>
      %dma_wait3A_35 = arith.constant 0 : i32
      %dma_wait3A_36 = arith.constant 0 : i32
      %dma_wait3A_37 = tpu.memref_slice %arg4[%add3A, %run_scoped3A, %dma_wait3A_35, %dma_wait3A_36] : memref<32x158x2x64xi32, #tpu.memory_space<hbm>> -> memref<1x1x2x64xi32, #tpu.memory_space<hbm>>
      %dma_wait3A_38 = tpu.memref_squeeze %dma_wait3A_37 : memref<1x1x2x64xi32, #tpu.memory_space<hbm>> -> memref<2x64xi32, #tpu.memory_space<hbm>>
      tpu.wait_dma2 semaphore(%run_scoped3A_22 : memref<!tpu.dma_semaphore, #tpu.memory_space<semaphore_mem>>) src(%dma_wait3A_38 : memref<2x64xi32, #tpu.memory_space<hbm>>) dst(%arg9 : memref<2x64xi32, #tpu.memory_space<vmem>>)
      tpu.yield
    }) : () -> ()
    %dma_start3A = arith.constant 0 : i32
    %dma_start3A_4 = arith.constant 0 : i32
    %dma_start3A_5 = tpu.memref_slice %arg9[%dma_start3A, %dma_start3A_4] : memref<2x64xi32, #tpu.memory_space<vmem>> -> memref<1x64xi32, #tpu.memory_space<vmem>>
    %dma_start3A_6 = tpu.memref_squeeze %dma_start3A_5 : memref<1x64xi32, #tpu.memory_space<vmem>> -> memref<64xi32, #tpu.memory_space<vmem>>
    %dma_start3A_7 = arith.constant 0 : i32
    %dma_start3A_8 = arith.constant 0 : i32
    %dma_start3A_9 = tpu.memref_slice %arg2[%dma_start3A_7, %dma_start3A_8] : memref<10000x128xf32, #tpu.memory_space<hbm>> -> memref<10000x128xf32, #tpu.memory_space<hbm>>
    tpu.enqueue_indirect_dma source(%dma_start3A_9 : memref<10000x128xf32, #tpu.memory_space<hbm>>) target(%arg11 : memref<64x128xf32, #tpu.memory_space<vmem>>) offsets(%dma_start3A_6 : memref<64xi32, #tpu.memory_space<vmem>>) semaphore(%arg16 : memref<!tpu.dma_semaphore, #tpu.memory_space<semaphore_mem>>)
    %scan3A = arith.constant 0 : i32
    %scan3A_10 = arith.constant 0 : i32
    %scan3A_11 = arith.constant 79 : i32
    %scan3A_12 = arith.addi %scan3A_10, %scan3A_11 : i32
    %scan3A_13 = arith.constant 1 : i32
    %scan3A_14 = scf.for %scan3A_22 = %scan3A_10 to %scan3A_12 step %scan3A_13 iter_args(%scan3A_23 = %scan3A) -> (i32)  : i32 {
      %mul3A_24 = arith.constant 2 : i32
      %mul3A_25 = arith.muli %scan3A_22, %mul3A_24 : i32
      %add3A_26 = arith.constant 0 : i32
      %add3A_27 = arith.addi %mul3A_25, %add3A_26 : i32
      %add3A_28 = arith.constant 1 : i32
      %add3A_29 = arith.addi %add3A_27, %add3A_28 : i32
      %rem3A = arith.constant 158 : i32
      %rem3A_30 = arith.remsi %add3A_29, %rem3A : i32
      "tpu.region"() ({
        %run_scoped3A_82 = tpu.sem_alloc : memref<!tpu.dma_semaphore, #tpu.memory_space<semaphore_mem>>
        %dma_start3A_83 = arith.constant 0 : i32
        %dma_start3A_84 = arith.constant 0 : i32
        %dma_start3A_85 = tpu.memref_slice %arg4[%add3A, %rem3A_30, %dma_start3A_83, %dma_start3A_84] : memref<32x158x2x64xi32, #tpu.memory_space<hbm>> -> memref<1x1x2x64xi32, #tpu.memory_space<hbm>>
        %dma_start3A_86 = tpu.memref_squeeze %dma_start3A_85 : memref<1x1x2x64xi32, #tpu.memory_space<hbm>> -> memref<2x64xi32, #tpu.memory_space<hbm>>
        %dma_start3A_87 = arith.constant 0 : i32
        %dma_start3A_88 = arith.constant 0 : i32
        %dma_start3A_89 = tpu.memref_slice %arg4[%add3A, %rem3A_30, %dma_start3A_87, %dma_start3A_88] : memref<32x158x2x64xi32, #tpu.memory_space<hbm>> -> memref<1x1x2x64xi32, #tpu.memory_space<hbm>>
        %dma_start3A_90 = tpu.memref_squeeze %dma_start3A_89 : memref<1x1x2x64xi32, #tpu.memory_space<hbm>> -> memref<2x64xi32, #tpu.memory_space<hbm>>
        tpu.enqueue_dma source(%dma_start3A_90 : memref<2x64xi32, #tpu.memory_space<hbm>>) target(%arg10 : memref<2x64xi32, #tpu.memory_space<vmem>>) target_semaphore(%run_scoped3A_82 : memref<!tpu.dma_semaphore, #tpu.memory_space<semaphore_mem>>)
        %dma_wait3A_91 = arith.constant 0 : i32
        %dma_wait3A_92 = arith.constant 0 : i32
        %dma_wait3A_93 = tpu.memref_slice %arg4[%add3A, %rem3A_30, %dma_wait3A_91, %dma_wait3A_92] : memref<32x158x2x64xi32, #tpu.memory_space<hbm>> -> memref<1x1x2x64xi32, #tpu.memory_space<hbm>>
        %dma_wait3A_94 = tpu.memref_squeeze %dma_wait3A_93 : memref<1x1x2x64xi32, #tpu.memory_space<hbm>> -> memref<2x64xi32, #tpu.memory_space<hbm>>
        %dma_wait3A_95 = arith.constant 0 : i32
        %dma_wait3A_96 = arith.constant 0 : i32
        %dma_wait3A_97 = tpu.memref_slice %arg4[%add3A, %rem3A_30, %dma_wait3A_95, %dma_wait3A_96] : memref<32x158x2x64xi32, #tpu.memory_space<hbm>> -> memref<1x1x2x64xi32, #tpu.memory_space<hbm>>
        %dma_wait3A_98 = tpu.memref_squeeze %dma_wait3A_97 : memref<1x1x2x64xi32, #tpu.memory_space<hbm>> -> memref<2x64xi32, #tpu.memory_space<hbm>>
        tpu.wait_dma2 semaphore(%run_scoped3A_82 : memref<!tpu.dma_semaphore, #tpu.memory_space<semaphore_mem>>) src(%dma_wait3A_98 : memref<2x64xi32, #tpu.memory_space<hbm>>) dst(%arg10 : memref<2x64xi32, #tpu.memory_space<vmem>>)
        tpu.yield
      }) : () -> ()
      %dma_start3A_31 = arith.constant 0 : i32
      %dma_start3A_32 = arith.constant 0 : i32
      %dma_start3A_33 = tpu.memref_slice %arg10[%dma_start3A_31, %dma_start3A_32] : memref<2x64xi32, #tpu.memory_space<vmem>> -> memref<1x64xi32, #tpu.memory_space<vmem>>
      %dma_start3A_34 = tpu.memref_squeeze %dma_start3A_33 : memref<1x64xi32, #tpu.memory_space<vmem>> -> memref<64xi32, #tpu.memory_space<vmem>>
      %dma_start3A_35 = arith.constant 0 : i32
      %dma_start3A_36 = arith.constant 0 : i32
      %dma_start3A_37 = tpu.memref_slice %arg2[%dma_start3A_35, %dma_start3A_36] : memref<10000x128xf32, #tpu.memory_space<hbm>> -> memref<10000x128xf32, #tpu.memory_space<hbm>>
      tpu.enqueue_indirect_dma source(%dma_start3A_37 : memref<10000x128xf32, #tpu.memory_space<hbm>>) target(%arg12 : memref<64x128xf32, #tpu.memory_space<vmem>>) offsets(%dma_start3A_34 : memref<64xi32, #tpu.memory_space<vmem>>) semaphore(%arg17 : memref<!tpu.dma_semaphore, #tpu.memory_space<semaphore_mem>>)
      %scan3A_38 = arith.constant 0 : i32
      %scan3A_39 = arith.constant 0 : i32
      %scan3A_40 = arith.constant 4 : i32
      %scan3A_41 = arith.addi %scan3A_39, %scan3A_40 : i32
      %scan3A_42 = arith.constant 1 : i32
      %scan3A_43 = scf.for %scan3A_82 = %scan3A_39 to %scan3A_41 step %scan3A_42 iter_args(%scan3A_83 = %scan3A_38) -> (i32)  : i32 {
        %mul3A_84 = arith.constant 16 : i32
        %mul3A_85 = arith.muli %scan3A_82, %mul3A_84 : i32
        %get3A = arith.constant 1 : i32
        %get3A_86 = arith.index_cast %get3A : i32 to index
        %get3A_87 = arith.index_cast %mul3A_85 : i32 to index
        %get3A_88 = tpu.vector_load %arg9[%get3A_86, %get3A_87] {strides = array<i32>} : memref<2x64xi32, #tpu.memory_space<vmem>>, vector<16xi32>,
        %mul3A_89 = arith.constant 16 : i32
        %mul3A_90 = arith.muli %scan3A_82, %mul3A_89 : i32
        %get3A_91 = arith.constant 0 : i32
        %get3A_92 = arith.index_cast %get3A_91 : i32 to index
        %get3A_93 = arith.index_cast %mul3A_90 : i32 to index
        %get3A_94 = tpu.vector_load %arg9[%get3A_92, %get3A_93] {strides = array<i32>} : memref<2x64xi32, #tpu.memory_space<vmem>>, vector<16xi32>,
        %gather3A = tpu.vector_load_idx %arg14[%get3A_88] : memref<10112xf32, #tpu.memory_space<vmem>>[vector<16xi32>], vector<16xf32>,
        tpu.vector_store_idx %arg13[%get3A_94], %gather3A {add = true} : memref<10112xf32, #tpu.memory_space<vmem>>[vector<16xi32>], vector<16xf32>,
        %scan3A_95 = arith.constant 0 : i32
        scf.yield %scan3A_95 : i32
      }
      %scan3A_44 = arith.constant 4 : i32
      %dma_wait3A_45 = arith.constant 0 : i32
      %dma_wait3A_46 = arith.constant 0 : i32
      %dma_wait3A_47 = tpu.memref_slice %arg5[%dma_wait3A_45, %dma_wait3A_46] : memref<10112x128xf32, #tpu.memory_space<hbm>> -> memref<64x128xf32, #tpu.memory_space<hbm>>
      %dma_wait3A_48 = arith.constant 0 : i32
      %dma_wait3A_49 = arith.constant 0 : i32
      %dma_wait3A_50 = tpu.memref_slice %arg5[%dma_wait3A_48, %dma_wait3A_49] : memref<10112x128xf32, #tpu.memory_space<hbm>> -> memref<64x128xf32, #tpu.memory_space<hbm>>
      tpu.wait_dma2 semaphore(%arg16 : memref<!tpu.dma_semaphore, #tpu.memory_space<semaphore_mem>>) src(%dma_wait3A_50 : memref<64x128xf32, #tpu.memory_space<hbm>>) dst(%arg11 : memref<64x128xf32, #tpu.memory_space<vmem>>)
      %run_scoped3A_51 = arith.constant 1 : i32
      "tpu.region"() ({
        %run_scoped3A_82 = tpu.sem_alloc : memref<!tpu.dma_semaphore, #tpu.memory_space<semaphore_mem>>
        %dma_start3A_83 = arith.constant 0 : i32
        %dma_start3A_84 = tpu.memref_slice %arg9[%run_scoped3A_51, %dma_start3A_83] : memref<2x64xi32, #tpu.memory_space<vmem>> -> memref<1x64xi32, #tpu.memory_space<vmem>>
        %dma_start3A_85 = tpu.memref_squeeze %dma_start3A_84 : memref<1x64xi32, #tpu.memory_space<vmem>> -> memref<64xi32, #tpu.memory_space<vmem>>
        %dma_start3A_86 = arith.constant 0 : i32
        %dma_start3A_87 = arith.constant 0 : i32
        %dma_start3A_88 = tpu.memref_slice %arg15[%dma_start3A_86, %dma_start3A_87] : memref<10112x128xf32, #tpu.memory_space<vmem_shared>> -> memref<10112x128xf32, #tpu.memory_space<vmem_shared>>
        tpu.enqueue_indirect_dma source(%arg11 : memref<64x128xf32, #tpu.memory_space<vmem>>) target(%dma_start3A_88 : memref<10112x128xf32, #tpu.memory_space<vmem_shared>>) offsets(%dma_start3A_85 : memref<64xi32, #tpu.memory_space<vmem>>) semaphore(%run_scoped3A_82 : memref<!tpu.dma_semaphore, #tpu.memory_space<semaphore_mem>>) {add = true}
        %dma_wait3A_89 = arith.constant 0 : i32
        %dma_wait3A_90 = tpu.memref_slice %arg9[%run_scoped3A_51, %dma_wait3A_89] : memref<2x64xi32, #tpu.memory_space<vmem>> -> memref<1x64xi32, #tpu.memory_space<vmem>>
        %dma_wait3A_91 = tpu.memref_squeeze %dma_wait3A_90 : memref<1x64xi32, #tpu.memory_space<vmem>> -> memref<64xi32, #tpu.memory_space<vmem>>
        %dma_wait3A_92 = arith.constant 0 : i32
        %dma_wait3A_93 = arith.constant 0 : i32
        %dma_wait3A_94 = tpu.memref_slice %arg15[%dma_wait3A_92, %dma_wait3A_93] : memref<10112x128xf32, #tpu.memory_space<vmem_shared>> -> memref<10112x128xf32, #tpu.memory_space<vmem_shared>>
        tpu.wait_indirect_dma semaphore(%run_scoped3A_82 : memref<!tpu.dma_semaphore, #tpu.memory_space<semaphore_mem>>) src(%arg11 : memref<64x128xf32, #tpu.memory_space<vmem>>) dst(%dma_wait3A_94 : memref<10112x128xf32, #tpu.memory_space<vmem_shared>>)
        tpu.yield
      }) : () -> ()
      %mul3A_52 = arith.constant 2 : i32
      %mul3A_53 = arith.muli %scan3A_22, %mul3A_52 : i32
      %add3A_54 = arith.constant 1 : i32
      %add3A_55 = arith.addi %mul3A_53, %add3A_54 : i32
      %add3A_56 = arith.constant 1 : i32
      %add3A_57 = arith.addi %add3A_55, %add3A_56 : i32
      %rem3A_58 = arith.constant 158 : i32
      %rem3A_59 = arith.remsi %add3A_57, %rem3A_58 : i32
      "tpu.region"() ({
        %run_scoped3A_82 = tpu.sem_alloc : memref<!tpu.dma_semaphore, #tpu.memory_space<semaphore_mem>>
        %dma_start3A_83 = arith.constant 0 : i32
        %dma_start3A_84 = arith.constant 0 : i32
        %dma_start3A_85 = tpu.memref_slice %arg4[%add3A, %rem3A_59, %dma_start3A_83, %dma_start3A_84] : memref<32x158x2x64xi32, #tpu.memory_space<hbm>> -> memref<1x1x2x64xi32, #tpu.memory_space<hbm>>
        %dma_start3A_86 = tpu.memref_squeeze %dma_start3A_85 : memref<1x1x2x64xi32, #tpu.memory_space<hbm>> -> memref<2x64xi32, #tpu.memory_space<hbm>>
        %dma_start3A_87 = arith.constant 0 : i32
        %dma_start3A_88 = arith.constant 0 : i32
        %dma_start3A_89 = tpu.memref_slice %arg4[%add3A, %rem3A_59, %dma_start3A_87, %dma_start3A_88] : memref<32x158x2x64xi32, #tpu.memory_space<hbm>> -> memref<1x1x2x64xi32, #tpu.memory_space<hbm>>
        %dma_start3A_90 = tpu.memref_squeeze %dma_start3A_89 : memref<1x1x2x64xi32, #tpu.memory_space<hbm>> -> memref<2x64xi32, #tpu.memory_space<hbm>>
        tpu.enqueue_dma source(%dma_start3A_90 : memref<2x64xi32, #tpu.memory_space<hbm>>) target(%arg9 : memref<2x64xi32, #tpu.memory_space<vmem>>) target_semaphore(%run_scoped3A_82 : memref<!tpu.dma_semaphore, #tpu.memory_space<semaphore_mem>>)
        %dma_wait3A_91 = arith.constant 0 : i32
        %dma_wait3A_92 = arith.constant 0 : i32
        %dma_wait3A_93 = tpu.memref_slice %arg4[%add3A, %rem3A_59, %dma_wait3A_91, %dma_wait3A_92] : memref<32x158x2x64xi32, #tpu.memory_space<hbm>> -> memref<1x1x2x64xi32, #tpu.memory_space<hbm>>
        %dma_wait3A_94 = tpu.memref_squeeze %dma_wait3A_93 : memref<1x1x2x64xi32, #tpu.memory_space<hbm>> -> memref<2x64xi32, #tpu.memory_space<hbm>>
        %dma_wait3A_95 = arith.constant 0 : i32
        %dma_wait3A_96 = arith.constant 0 : i32
        %dma_wait3A_97 = tpu.memref_slice %arg4[%add3A, %rem3A_59, %dma_wait3A_95, %dma_wait3A_96] : memref<32x158x2x64xi32, #tpu.memory_space<hbm>> -> memref<1x1x2x64xi32, #tpu.memory_space<hbm>>
        %dma_wait3A_98 = tpu.memref_squeeze %dma_wait3A_97 : memref<1x1x2x64xi32, #tpu.memory_space<hbm>> -> memref<2x64xi32, #tpu.memory_space<hbm>>
        tpu.wait_dma2 semaphore(%run_scoped3A_82 : memref<!tpu.dma_semaphore, #tpu.memory_space<semaphore_mem>>) src(%dma_wait3A_98 : memref<2x64xi32, #tpu.memory_space<hbm>>) dst(%arg9 : memref<2x64xi32, #tpu.memory_space<vmem>>)
        tpu.yield
      }) : () -> ()
      %dma_start3A_60 = arith.constant 0 : i32
      %dma_start3A_61 = arith.constant 0 : i32
      %dma_start3A_62 = tpu.memref_slice %arg9[%dma_start3A_60, %dma_start3A_61] : memref<2x64xi32, #tpu.memory_space<vmem>> -> memref<1x64xi32, #tpu.memory_space<vmem>>
      %dma_start3A_63 = tpu.memref_squeeze %dma_start3A_62 : memref<1x64xi32, #tpu.memory_space<vmem>> -> memref<64xi32, #tpu.memory_space<vmem>>
      %dma_start3A_64 = arith.constant 0 : i32
      %dma_start3A_65 = arith.constant 0 : i32
      %dma_start3A_66 = tpu.memref_slice %arg2[%dma_start3A_64, %dma_start3A_65] : memref<10000x128xf32, #tpu.memory_space<hbm>> -> memref<10000x128xf32, #tpu.memory_space<hbm>>
      tpu.enqueue_indirect_dma source(%dma_start3A_66 : memref<10000x128xf32, #tpu.memory_space<hbm>>) target(%arg11 : memref<64x128xf32, #tpu.memory_space<vmem>>) offsets(%dma_start3A_63 : memref<64xi32, #tpu.memory_space<vmem>>) semaphore(%arg16 : memref<!tpu.dma_semaphore, #tpu.memory_space<semaphore_mem>>)
      %scan3A_67 = arith.constant 0 : i32
      %scan3A_68 = arith.constant 0 : i32
      %scan3A_69 = arith.constant 4 : i32
      %scan3A_70 = arith.addi %scan3A_68, %scan3A_69 : i32
      %scan3A_71 = arith.constant 1 : i32
      %scan3A_72 = scf.for %scan3A_82 = %scan3A_68 to %scan3A_70 step %scan3A_71 iter_args(%scan3A_83 = %scan3A_67) -> (i32)  : i32 {
        %mul3A_84 = arith.constant 16 : i32
        %mul3A_85 = arith.muli %scan3A_82, %mul3A_84 : i32
        %get3A = arith.constant 1 : i32
        %get3A_86 = arith.index_cast %get3A : i32 to index
        %get3A_87 = arith.index_cast %mul3A_85 : i32 to index
        %get3A_88 = tpu.vector_load %arg10[%get3A_86, %get3A_87] {strides = array<i32>} : memref<2x64xi32, #tpu.memory_space<vmem>>, vector<16xi32>,
        %mul3A_89 = arith.constant 16 : i32
        %mul3A_90 = arith.muli %scan3A_82, %mul3A_89 : i32
        %get3A_91 = arith.constant 0 : i32
        %get3A_92 = arith.index_cast %get3A_91 : i32 to index
        %get3A_93 = arith.index_cast %mul3A_90 : i32 to index
        %get3A_94 = tpu.vector_load %arg10[%get3A_92, %get3A_93] {strides = array<i32>} : memref<2x64xi32, #tpu.memory_space<vmem>>, vector<16xi32>,
        %gather3A = tpu.vector_load_idx %arg14[%get3A_88] : memref<10112xf32, #tpu.memory_space<vmem>>[vector<16xi32>], vector<16xf32>,
        tpu.vector_store_idx %arg13[%get3A_94], %gather3A {add = true} : memref<10112xf32, #tpu.memory_space<vmem>>[vector<16xi32>], vector<16xf32>,
        %scan3A_95 = arith.constant 0 : i32
        scf.yield %scan3A_95 : i32
      }
      %scan3A_73 = arith.constant 4 : i32
      %dma_wait3A_74 = arith.constant 0 : i32
      %dma_wait3A_75 = arith.constant 0 : i32
      %dma_wait3A_76 = tpu.memref_slice %arg5[%dma_wait3A_74, %dma_wait3A_75] : memref<10112x128xf32, #tpu.memory_space<hbm>> -> memref<64x128xf32, #tpu.memory_space<hbm>>
      %dma_wait3A_77 = arith.constant 0 : i32
      %dma_wait3A_78 = arith.constant 0 : i32
      %dma_wait3A_79 = tpu.memref_slice %arg5[%dma_wait3A_77, %dma_wait3A_78] : memref<10112x128xf32, #tpu.memory_space<hbm>> -> memref<64x128xf32, #tpu.memory_space<hbm>>
      tpu.wait_dma2 semaphore(%arg17 : memref<!tpu.dma_semaphore, #tpu.memory_space<semaphore_mem>>) src(%dma_wait3A_79 : memref<64x128xf32, #tpu.memory_space<hbm>>) dst(%arg12 : memref<64x128xf32, #tpu.memory_space<vmem>>)
      %run_scoped3A_80 = arith.constant 1 : i32
      "tpu.region"() ({
        %run_scoped3A_82 = tpu.sem_alloc : memref<!tpu.dma_semaphore, #tpu.memory_space<semaphore_mem>>
        %dma_start3A_83 = arith.constant 0 : i32
        %dma_start3A_84 = tpu.memref_slice %arg10[%run_scoped3A_80, %dma_start3A_83] : memref<2x64xi32, #tpu.memory_space<vmem>> -> memref<1x64xi32, #tpu.memory_space<vmem>>
        %dma_start3A_85 = tpu.memref_squeeze %dma_start3A_84 : memref<1x64xi32, #tpu.memory_space<vmem>> -> memref<64xi32, #tpu.memory_space<vmem>>
        %dma_start3A_86 = arith.constant 0 : i32
        %dma_start3A_87 = arith.constant 0 : i32
        %dma_start3A_88 = tpu.memref_slice %arg15[%dma_start3A_86, %dma_start3A_87] : memref<10112x128xf32, #tpu.memory_space<vmem_shared>> -> memref<10112x128xf32, #tpu.memory_space<vmem_shared>>
        tpu.enqueue_indirect_dma source(%arg12 : memref<64x128xf32, #tpu.memory_space<vmem>>) target(%dma_start3A_88 : memref<10112x128xf32, #tpu.memory_space<vmem_shared>>) offsets(%dma_start3A_85 : memref<64xi32, #tpu.memory_space<vmem>>) semaphore(%run_scoped3A_82 : memref<!tpu.dma_semaphore, #tpu.memory_space<semaphore_mem>>) {add = true}
        %dma_wait3A_89 = arith.constant 0 : i32
        %dma_wait3A_90 = tpu.memref_slice %arg10[%run_scoped3A_80, %dma_wait3A_89] : memref<2x64xi32, #tpu.memory_space<vmem>> -> memref<1x64xi32, #tpu.memory_space<vmem>>
        %dma_wait3A_91 = tpu.memref_squeeze %dma_wait3A_90 : memref<1x64xi32, #tpu.memory_space<vmem>> -> memref<64xi32, #tpu.memory_space<vmem>>
        %dma_wait3A_92 = arith.constant 0 : i32
        %dma_wait3A_93 = arith.constant 0 : i32
        %dma_wait3A_94 = tpu.memref_slice %arg15[%dma_wait3A_92, %dma_wait3A_93] : memref<10112x128xf32, #tpu.memory_space<vmem_shared>> -> memref<10112x128xf32, #tpu.memory_space<vmem_shared>>
        tpu.wait_indirect_dma semaphore(%run_scoped3A_82 : memref<!tpu.dma_semaphore, #tpu.memory_space<semaphore_mem>>) src(%arg12 : memref<64x128xf32, #tpu.memory_space<vmem>>) dst(%dma_wait3A_94 : memref<10112x128xf32, #tpu.memory_space<vmem_shared>>)
        tpu.yield
      }) : () -> ()
      %scan3A_81 = arith.constant 0 : i32
      scf.yield %scan3A_81 : i32
    }
    %scan3A_15 = arith.constant 79 : i32
    %dma_wait3A = arith.constant 0 : i32
    %dma_wait3A_16 = arith.constant 0 : i32
    %dma_wait3A_17 = tpu.memref_slice %arg5[%dma_wait3A, %dma_wait3A_16] : memref<10112x128xf32, #tpu.memory_space<hbm>> -> memref<64x128xf32, #tpu.memory_space<hbm>>
    %dma_wait3A_18 = arith.constant 0 : i32
    %dma_wait3A_19 = arith.constant 0 : i32
    %dma_wait3A_20 = tpu.memref_slice %arg5[%dma_wait3A_18, %dma_wait3A_19] : memref<10112x128xf32, #tpu.memory_space<hbm>> -> memref<64x128xf32, #tpu.memory_space<hbm>>
    tpu.wait_dma2 semaphore(%arg16 : memref<!tpu.dma_semaphore, #tpu.memory_space<semaphore_mem>>) src(%dma_wait3A_20 : memref<64x128xf32, #tpu.memory_space<hbm>>) dst(%arg11 : memref<64x128xf32, #tpu.memory_space<vmem>>)
    %barrier3A_21 = arith.constant 0 : index
    tpu.barrier barrier_id(%barrier3A_21)
    "tpu.region"() ({
      %run_scoped3A_22 = tpu.sem_alloc : memref<!tpu.dma_semaphore, #tpu.memory_space<semaphore_mem>>
      %dma_start3A_23 = arith.constant 0 : i32
      %dma_start3A_24 = tpu.memref_slice %arg7[%arg0, %mul3A_2, %dma_start3A_23] : memref<2x10112x128xf32, #tpu.memory_space<hbm>> -> memref<1x632x128xf32, #tpu.memory_space<hbm>>
      %dma_start3A_25 = tpu.memref_squeeze %dma_start3A_24 : memref<1x632x128xf32, #tpu.memory_space<hbm>> -> memref<632x128xf32, #tpu.memory_space<hbm>>
      %dma_start3A_26 = arith.constant 0 : i32
      %dma_start3A_27 = tpu.memref_slice %arg15[%mul3A_2, %dma_start3A_26] : memref<10112x128xf32, #tpu.memory_space<vmem_shared>> -> memref<632x128xf32, #tpu.memory_space<vmem_shared>>
      tpu.enqueue_dma source(%dma_start3A_27 : memref<632x128xf32, #tpu.memory_space<vmem_shared>>) target(%dma_start3A_25 : memref<632x128xf32, #tpu.memory_space<hbm>>) target_semaphore(%run_scoped3A_22 : memref<!tpu.dma_semaphore, #tpu.memory_space<semaphore_mem>>)
      %dma_wait3A_28 = arith.constant 0 : i32
      %dma_wait3A_29 = tpu.memref_slice %arg7[%arg0, %mul3A_2, %dma_wait3A_28] : memref<2x10112x128xf32, #tpu.memory_space<hbm>> -> memref<1x632x128xf32, #tpu.memory_space<hbm>>
      %dma_wait3A_30 = tpu.memref_squeeze %dma_wait3A_29 : memref<1x632x128xf32, #tpu.memory_space<hbm>> -> memref<632x128xf32, #tpu.memory_space<hbm>>
      %dma_wait3A_31 = arith.constant 0 : i32
      %dma_wait3A_32 = tpu.memref_slice %arg15[%mul3A_2, %dma_wait3A_31] : memref<10112x128xf32, #tpu.memory_space<vmem_shared>> -> memref<632x128xf32, #tpu.memory_space<vmem_shared>>
      tpu.wait_dma2 semaphore(%run_scoped3A_22 : memref<!tpu.dma_semaphore, #tpu.memory_space<semaphore_mem>>) src(%dma_wait3A_32 : memref<632x128xf32, #tpu.memory_space<vmem_shared>>) dst(%dma_wait3A_30 : memref<632x128xf32, #tpu.memory_space<hbm>>)
      tpu.yield
    }) : () -> ()
    "tpu.region"() ({
      %run_scoped3A_22 = tpu.sem_alloc : memref<!tpu.dma_semaphore, #tpu.memory_space<semaphore_mem>>
      %dma_start3A_23 = arith.constant 0 : i32
      %dma_start3A_24 = tpu.memref_slice %arg8[%add3A, %dma_start3A_23] : memref<32x10112xf32, #tpu.memory_space<hbm>> -> memref<1x10112xf32, #tpu.memory_space<hbm>>
      %dma_start3A_25 = tpu.memref_squeeze %dma_start3A_24 : memref<1x10112xf32, #tpu.memory_space<hbm>> -> memref<10112xf32, #tpu.memory_space<hbm>>
      %dma_start3A_26 = arith.constant 0 : i32
      %dma_start3A_27 = tpu.memref_slice %arg8[%add3A, %dma_start3A_26] : memref<32x10112xf32, #tpu.memory_space<hbm>> -> memref<1x10112xf32, #tpu.memory_space<hbm>>
      %dma_start3A_28 = tpu.memref_squeeze %dma_start3A_27 : memref<1x10112xf32, #tpu.memory_space<hbm>> -> memref<10112xf32, #tpu.memory_space<hbm>>
      tpu.enqueue_dma source(%arg13 : memref<10112xf32, #tpu.memory_space<vmem>>) target(%dma_start3A_28 : memref<10112xf32, #tpu.memory_space<hbm>>) target_semaphore(%run_scoped3A_22 : memref<!tpu.dma_semaphore, #tpu.memory_space<semaphore_mem>>)
      %dma_wait3A_29 = arith.constant 0 : i32
      %dma_wait3A_30 = tpu.memref_slice %arg8[%add3A, %dma_wait3A_29] : memref<32x10112xf32, #tpu.memory_space<hbm>> -> memref<1x10112xf32, #tpu.memory_space<hbm>>
      %dma_wait3A_31 = tpu.memref_squeeze %dma_wait3A_30 : memref<1x10112xf32, #tpu.memory_space<hbm>> -> memref<10112xf32, #tpu.memory_space<hbm>>
      %dma_wait3A_32 = arith.constant 0 : i32
      %dma_wait3A_33 = tpu.memref_slice %arg8[%add3A, %dma_wait3A_32] : memref<32x10112xf32, #tpu.memory_space<hbm>> -> memref<1x10112xf32, #tpu.memory_space<hbm>>
      %dma_wait3A_34 = tpu.memref_squeeze %dma_wait3A_33 : memref<1x10112xf32, #tpu.memory_space<hbm>> -> memref<10112xf32, #tpu.memory_space<hbm>>
      tpu.wait_dma2 semaphore(%run_scoped3A_22 : memref<!tpu.dma_semaphore, #tpu.memory_space<semaphore_mem>>) src(%arg13 : memref<10112xf32, #tpu.memory_space<vmem>>) dst(%dma_wait3A_34 : memref<10112xf32, #tpu.memory_space<hbm>>)
      tpu.yield
    }) : () -> ()
    return
  }
}

#map = affine_map<(d0, d1) -> (0, 0)>
#map1 = affine_map<(d0, d1) -> (0, 0, 0, 0)>
#map2 = affine_map<(d0, d1) -> (0)>
#map3 = affine_map<(d0, d1) -> (0, 0, 0)>
module attributes {stable_mosaic.version = 14 : i64} {
  func.func @body(%arg0: i32, %arg1: i32, %arg2: memref<10000x128xf32, #tpu.memory_space<hbm>>, %arg3: memref<32x158x2x64xi32, #tpu.memory_space<hbm>>, %arg4: memref<10112x128xf32, #tpu.memory_space<hbm>>, %arg5: memref<10112xf32, #tpu.memory_space<hbm>>, %arg6: memref<2x10112x128xf32, #tpu.memory_space<hbm>>, %arg7: memref<32x10112xf32, #tpu.memory_space<hbm>>, %arg8: memref<2x64xi32, #tpu.memory_space<vmem>>, %arg9: memref<2x64xi32, #tpu.memory_space<vmem>>, %arg10: memref<64x128xf32, #tpu.memory_space<vmem>>, %arg11: memref<64x128xf32, #tpu.memory_space<vmem>>, %arg12: memref<10112xf32, #tpu.memory_space<vmem>>, %arg13: memref<10112x128xf32, #tpu.memory_space<vmem_shared>>, %arg14: memref<!tpu.dma_semaphore, #tpu.memory_space<semaphore_mem>>, %arg15: memref<!tpu.dma_semaphore, #tpu.memory_space<semaphore_mem>>) attributes {dimension_semantics = [#tpu.dimension_semantics<core_parallel>, #tpu.dimension_semantics<subcore_parallel>], iteration_bounds = array<i64: 2, 16>, scalar_prefetch = 0 : i64, scratch_operands = 8 : i64, tpu.core_type = #tpu.core_type<sc_vector_subcore>, window_params = [{transform_indices = #map}, {transform_indices = #map1}, {transform_indices = #map}, {transform_indices = #map2}, {transform_indices = #map3}, {transform_indices = #map}]} {
    %mul3A = arith.constant 2 : i32
    %mul3A_0 = arith.muli %arg1, %mul3A : i32
    %add3A = arith.addi %mul3A_0, %arg0 : i32
    %mul3A_1 = arith.constant 632 : i32
    %mul3A_2 = arith.muli %arg1, %mul3A_1 : i32
    "tpu.region"() ({
      %run_scoped3A_22 = tpu.sem_alloc : memref<!tpu.dma_semaphore, #tpu.memory_space<semaphore_mem>>
      %dma_start3A_23 = arith.constant 0 : i32
      %dma_start3A_24 = tpu.memref_slice %arg13[%mul3A_2, %dma_start3A_23] : memref<10112x128xf32, #tpu.memory_space<vmem_shared>> -> memref<632x128xf32, #tpu.memory_space<vmem_shared>>
      %dma_start3A_25 = arith.constant 0 : i32
      %dma_start3A_26 = tpu.memref_slice %arg4[%mul3A_2, %dma_start3A_25] : memref<10112x128xf32, #tpu.memory_space<hbm>> -> memref<632x128xf32, #tpu.memory_space<hbm>>
      tpu.enqueue_dma source(%dma_start3A_26 : memref<632x128xf32, #tpu.memory_space<hbm>>) target(%dma_start3A_24 : memref<632x128xf32, #tpu.memory_space<vmem_shared>>) target_semaphore(%run_scoped3A_22 : memref<!tpu.dma_semaphore, #tpu.memory_space<semaphore_mem>>)
      %dma_wait3A_27 = arith.constant 0 : i32
      %dma_wait3A_28 = tpu.memref_slice %arg13[%mul3A_2, %dma_wait3A_27] : memref<10112x128xf32, #tpu.memory_space<vmem_shared>> -> memref<632x128xf32, #tpu.memory_space<vmem_shared>>
      %dma_wait3A_29 = arith.constant 0 : i32
      %dma_wait3A_30 = tpu.memref_slice %arg4[%mul3A_2, %dma_wait3A_29] : memref<10112x128xf32, #tpu.memory_space<hbm>> -> memref<632x128xf32, #tpu.memory_space<hbm>>
      tpu.wait_dma2 semaphore(%run_scoped3A_22 : memref<!tpu.dma_semaphore, #tpu.memory_space<semaphore_mem>>) src(%dma_wait3A_30 : memref<632x128xf32, #tpu.memory_space<hbm>>) dst(%dma_wait3A_28 : memref<632x128xf32, #tpu.memory_space<vmem_shared>>)
      tpu.yield
    }) : () -> ()
    "tpu.region"() ({
      %run_scoped3A_22 = tpu.sem_alloc : memref<!tpu.dma_semaphore, #tpu.memory_space<semaphore_mem>>
      tpu.enqueue_dma source(%arg5 : memref<10112xf32, #tpu.memory_space<hbm>>) target(%arg12 : memref<10112xf32, #tpu.memory_space<vmem>>) target_semaphore(%run_scoped3A_22 : memref<!tpu.dma_semaphore, #tpu.memory_space<semaphore_mem>>)
      tpu.wait_dma2 semaphore(%run_scoped3A_22 : memref<!tpu.dma_semaphore, #tpu.memory_space<semaphore_mem>>) src(%arg5 : memref<10112xf32, #tpu.memory_space<hbm>>) dst(%arg12 : memref<10112xf32, #tpu.memory_space<vmem>>)
      tpu.yield
    }) : () -> ()
    %barrier3A = arith.constant 0 : index
    tpu.barrier barrier_id(%barrier3A)
    %broadcast_in_dim3A = arith.constant 1.000000e+00 : f32
    %broadcast_in_dim3A_3 = vector.broadcast %broadcast_in_dim3A : f32 to vector<16xf32>
    %run_scoped3A = arith.constant 0 : i32
    "tpu.region"() ({
      %run_scoped3A_22 = tpu.sem_alloc : memref<!tpu.dma_semaphore, #tpu.memory_space<semaphore_mem>>
      %dma_start3A_23 = arith.constant 0 : i32
      %dma_start3A_24 = arith.constant 0 : i32
      %dma_start3A_25 = tpu.memref_slice %arg3[%add3A, %run_scoped3A, %dma_start3A_23, %dma_start3A_24] : memref<32x158x2x64xi32, #tpu.memory_space<hbm>> -> memref<1x1x2x64xi32, #tpu.memory_space<hbm>>
      %dma_start3A_26 = tpu.memref_squeeze %dma_start3A_25 : memref<1x1x2x64xi32, #tpu.memory_space<hbm>> -> memref<2x64xi32, #tpu.memory_space<hbm>>
      %dma_start3A_27 = arith.constant 0 : i32
      %dma_start3A_28 = arith.constant 0 : i32
      %dma_start3A_29 = tpu.memref_slice %arg3[%add3A, %run_scoped3A, %dma_start3A_27, %dma_start3A_28] : memref<32x158x2x64xi32, #tpu.memory_space<hbm>> -> memref<1x1x2x64xi32, #tpu.memory_space<hbm>>
      %dma_start3A_30 = tpu.memref_squeeze %dma_start3A_29 : memref<1x1x2x64xi32, #tpu.memory_space<hbm>> -> memref<2x64xi32, #tpu.memory_space<hbm>>
      tpu.enqueue_dma source(%dma_start3A_30 : memref<2x64xi32, #tpu.memory_space<hbm>>) target(%arg8 : memref<2x64xi32, #tpu.memory_space<vmem>>) target_semaphore(%run_scoped3A_22 : memref<!tpu.dma_semaphore, #tpu.memory_space<semaphore_mem>>)
      %dma_wait3A_31 = arith.constant 0 : i32
      %dma_wait3A_32 = arith.constant 0 : i32
      %dma_wait3A_33 = tpu.memref_slice %arg3[%add3A, %run_scoped3A, %dma_wait3A_31, %dma_wait3A_32] : memref<32x158x2x64xi32, #tpu.memory_space<hbm>> -> memref<1x1x2x64xi32, #tpu.memory_space<hbm>>
      %dma_wait3A_34 = tpu.memref_squeeze %dma_wait3A_33 : memref<1x1x2x64xi32, #tpu.memory_space<hbm>> -> memref<2x64xi32, #tpu.memory_space<hbm>>
      %dma_wait3A_35 = arith.constant 0 : i32
      %dma_wait3A_36 = arith.constant 0 : i32
      %dma_wait3A_37 = tpu.memref_slice %arg3[%add3A, %run_scoped3A, %dma_wait3A_35, %dma_wait3A_36] : memref<32x158x2x64xi32, #tpu.memory_space<hbm>> -> memref<1x1x2x64xi32, #tpu.memory_space<hbm>>
      %dma_wait3A_38 = tpu.memref_squeeze %dma_wait3A_37 : memref<1x1x2x64xi32, #tpu.memory_space<hbm>> -> memref<2x64xi32, #tpu.memory_space<hbm>>
      tpu.wait_dma2 semaphore(%run_scoped3A_22 : memref<!tpu.dma_semaphore, #tpu.memory_space<semaphore_mem>>) src(%dma_wait3A_38 : memref<2x64xi32, #tpu.memory_space<hbm>>) dst(%arg8 : memref<2x64xi32, #tpu.memory_space<vmem>>)
      tpu.yield
    }) : () -> ()
    %dma_start3A = arith.constant 0 : i32
    %dma_start3A_4 = arith.constant 0 : i32
    %dma_start3A_5 = tpu.memref_slice %arg8[%dma_start3A, %dma_start3A_4] : memref<2x64xi32, #tpu.memory_space<vmem>> -> memref<1x64xi32, #tpu.memory_space<vmem>>
    %dma_start3A_6 = tpu.memref_squeeze %dma_start3A_5 : memref<1x64xi32, #tpu.memory_space<vmem>> -> memref<64xi32, #tpu.memory_space<vmem>>
    %dma_start3A_7 = arith.constant 0 : i32
    %dma_start3A_8 = arith.constant 0 : i32
    %dma_start3A_9 = tpu.memref_slice %arg2[%dma_start3A_7, %dma_start3A_8] : memref<10000x128xf32, #tpu.memory_space<hbm>> -> memref<10000x128xf32, #tpu.memory_space<hbm>>
    tpu.enqueue_indirect_dma source(%dma_start3A_9 : memref<10000x128xf32, #tpu.memory_space<hbm>>) target(%arg10 : memref<64x128xf32, #tpu.memory_space<vmem>>) offsets(%dma_start3A_6 : memref<64xi32, #tpu.memory_space<vmem>>) semaphore(%arg14 : memref<!tpu.dma_semaphore, #tpu.memory_space<semaphore_mem>>)
    %scan3A = arith.constant 0 : i32
    %scan3A_10 = arith.constant 0 : i32
    %scan3A_11 = arith.constant 79 : i32
    %scan3A_12 = arith.addi %scan3A_10, %scan3A_11 : i32
    %scan3A_13 = arith.constant 1 : i32
    %scan3A_14 = scf.for %scan3A_22 = %scan3A_10 to %scan3A_12 step %scan3A_13 iter_args(%scan3A_23 = %scan3A) -> (i32)  : i32 {
      %mul3A_24 = arith.constant 2 : i32
      %mul3A_25 = arith.muli %scan3A_22, %mul3A_24 : i32
      %add3A_26 = arith.constant 0 : i32
      %add3A_27 = arith.addi %mul3A_25, %add3A_26 : i32
      %add3A_28 = arith.constant 1 : i32
      %add3A_29 = arith.addi %add3A_27, %add3A_28 : i32
      %rem3A = arith.constant 158 : i32
      %rem3A_30 = arith.remsi %add3A_29, %rem3A : i32
      "tpu.region"() ({
        %run_scoped3A_82 = tpu.sem_alloc : memref<!tpu.dma_semaphore, #tpu.memory_space<semaphore_mem>>
        %dma_start3A_83 = arith.constant 0 : i32
        %dma_start3A_84 = arith.constant 0 : i32
        %dma_start3A_85 = tpu.memref_slice %arg3[%add3A, %rem3A_30, %dma_start3A_83, %dma_start3A_84] : memref<32x158x2x64xi32, #tpu.memory_space<hbm>> -> memref<1x1x2x64xi32, #tpu.memory_space<hbm>>
        %dma_start3A_86 = tpu.memref_squeeze %dma_start3A_85 : memref<1x1x2x64xi32, #tpu.memory_space<hbm>> -> memref<2x64xi32, #tpu.memory_space<hbm>>
        %dma_start3A_87 = arith.constant 0 : i32
        %dma_start3A_88 = arith.constant 0 : i32
        %dma_start3A_89 = tpu.memref_slice %arg3[%add3A, %rem3A_30, %dma_start3A_87, %dma_start3A_88] : memref<32x158x2x64xi32, #tpu.memory_space<hbm>> -> memref<1x1x2x64xi32, #tpu.memory_space<hbm>>
        %dma_start3A_90 = tpu.memref_squeeze %dma_start3A_89 : memref<1x1x2x64xi32, #tpu.memory_space<hbm>> -> memref<2x64xi32, #tpu.memory_space<hbm>>
        tpu.enqueue_dma source(%dma_start3A_90 : memref<2x64xi32, #tpu.memory_space<hbm>>) target(%arg9 : memref<2x64xi32, #tpu.memory_space<vmem>>) target_semaphore(%run_scoped3A_82 : memref<!tpu.dma_semaphore, #tpu.memory_space<semaphore_mem>>)
        %dma_wait3A_91 = arith.constant 0 : i32
        %dma_wait3A_92 = arith.constant 0 : i32
        %dma_wait3A_93 = tpu.memref_slice %arg3[%add3A, %rem3A_30, %dma_wait3A_91, %dma_wait3A_92] : memref<32x158x2x64xi32, #tpu.memory_space<hbm>> -> memref<1x1x2x64xi32, #tpu.memory_space<hbm>>
        %dma_wait3A_94 = tpu.memref_squeeze %dma_wait3A_93 : memref<1x1x2x64xi32, #tpu.memory_space<hbm>> -> memref<2x64xi32, #tpu.memory_space<hbm>>
        %dma_wait3A_95 = arith.constant 0 : i32
        %dma_wait3A_96 = arith.constant 0 : i32
        %dma_wait3A_97 = tpu.memref_slice %arg3[%add3A, %rem3A_30, %dma_wait3A_95, %dma_wait3A_96] : memref<32x158x2x64xi32, #tpu.memory_space<hbm>> -> memref<1x1x2x64xi32, #tpu.memory_space<hbm>>
        %dma_wait3A_98 = tpu.memref_squeeze %dma_wait3A_97 : memref<1x1x2x64xi32, #tpu.memory_space<hbm>> -> memref<2x64xi32, #tpu.memory_space<hbm>>
        tpu.wait_dma2 semaphore(%run_scoped3A_82 : memref<!tpu.dma_semaphore, #tpu.memory_space<semaphore_mem>>) src(%dma_wait3A_98 : memref<2x64xi32, #tpu.memory_space<hbm>>) dst(%arg9 : memref<2x64xi32, #tpu.memory_space<vmem>>)
        tpu.yield
      }) : () -> ()
      %dma_start3A_31 = arith.constant 0 : i32
      %dma_start3A_32 = arith.constant 0 : i32
      %dma_start3A_33 = tpu.memref_slice %arg9[%dma_start3A_31, %dma_start3A_32] : memref<2x64xi32, #tpu.memory_space<vmem>> -> memref<1x64xi32, #tpu.memory_space<vmem>>
      %dma_start3A_34 = tpu.memref_squeeze %dma_start3A_33 : memref<1x64xi32, #tpu.memory_space<vmem>> -> memref<64xi32, #tpu.memory_space<vmem>>
      %dma_start3A_35 = arith.constant 0 : i32
      %dma_start3A_36 = arith.constant 0 : i32
      %dma_start3A_37 = tpu.memref_slice %arg2[%dma_start3A_35, %dma_start3A_36] : memref<10000x128xf32, #tpu.memory_space<hbm>> -> memref<10000x128xf32, #tpu.memory_space<hbm>>
      tpu.enqueue_indirect_dma source(%dma_start3A_37 : memref<10000x128xf32, #tpu.memory_space<hbm>>) target(%arg11 : memref<64x128xf32, #tpu.memory_space<vmem>>) offsets(%dma_start3A_34 : memref<64xi32, #tpu.memory_space<vmem>>) semaphore(%arg15 : memref<!tpu.dma_semaphore, #tpu.memory_space<semaphore_mem>>)
      %scan3A_38 = arith.constant 0 : i32
      %scan3A_39 = arith.constant 0 : i32
      %scan3A_40 = arith.constant 4 : i32
      %scan3A_41 = arith.addi %scan3A_39, %scan3A_40 : i32
      %scan3A_42 = arith.constant 1 : i32
      %scan3A_43 = scf.for %scan3A_82 = %scan3A_39 to %scan3A_41 step %scan3A_42 iter_args(%scan3A_83 = %scan3A_38) -> (i32)  : i32 {
        %mul3A_84 = arith.constant 16 : i32
        %mul3A_85 = arith.muli %scan3A_82, %mul3A_84 : i32
        %get3A = arith.constant 1 : i32
        %get3A_86 = arith.index_cast %get3A : i32 to index
        %get3A_87 = arith.index_cast %mul3A_85 : i32 to index
        %get3A_88 = tpu.vector_load %arg8[%get3A_86, %get3A_87] {strides = array<i32>} : memref<2x64xi32, #tpu.memory_space<vmem>>, vector<16xi32>,
        tpu.vector_store_idx %arg12[%get3A_88], %broadcast_in_dim3A_3 {add = true} : memref<10112xf32, #tpu.memory_space<vmem>>[vector<16xi32>], vector<16xf32>,
        %scan3A_89 = arith.constant 0 : i32
        scf.yield %scan3A_89 : i32
      }
      %scan3A_44 = arith.constant 4 : i32
      %dma_wait3A_45 = arith.constant 0 : i32
      %dma_wait3A_46 = arith.constant 0 : i32
      %dma_wait3A_47 = tpu.memref_slice %arg4[%dma_wait3A_45, %dma_wait3A_46] : memref<10112x128xf32, #tpu.memory_space<hbm>> -> memref<64x128xf32, #tpu.memory_space<hbm>>
      %dma_wait3A_48 = arith.constant 0 : i32
      %dma_wait3A_49 = arith.constant 0 : i32
      %dma_wait3A_50 = tpu.memref_slice %arg4[%dma_wait3A_48, %dma_wait3A_49] : memref<10112x128xf32, #tpu.memory_space<hbm>> -> memref<64x128xf32, #tpu.memory_space<hbm>>
      tpu.wait_dma2 semaphore(%arg14 : memref<!tpu.dma_semaphore, #tpu.memory_space<semaphore_mem>>) src(%dma_wait3A_50 : memref<64x128xf32, #tpu.memory_space<hbm>>) dst(%arg10 : memref<64x128xf32, #tpu.memory_space<vmem>>)
      %run_scoped3A_51 = arith.constant 1 : i32
      "tpu.region"() ({
        %run_scoped3A_82 = tpu.sem_alloc : memref<!tpu.dma_semaphore, #tpu.memory_space<semaphore_mem>>
        %dma_start3A_83 = arith.constant 0 : i32
        %dma_start3A_84 = tpu.memref_slice %arg8[%run_scoped3A_51, %dma_start3A_83] : memref<2x64xi32, #tpu.memory_space<vmem>> -> memref<1x64xi32, #tpu.memory_space<vmem>>
        %dma_start3A_85 = tpu.memref_squeeze %dma_start3A_84 : memref<1x64xi32, #tpu.memory_space<vmem>> -> memref<64xi32, #tpu.memory_space<vmem>>
        %dma_start3A_86 = arith.constant 0 : i32
        %dma_start3A_87 = arith.constant 0 : i32
        %dma_start3A_88 = tpu.memref_slice %arg13[%dma_start3A_86, %dma_start3A_87] : memref<10112x128xf32, #tpu.memory_space<vmem_shared>> -> memref<10112x128xf32, #tpu.memory_space<vmem_shared>>
        tpu.enqueue_indirect_dma source(%arg10 : memref<64x128xf32, #tpu.memory_space<vmem>>) target(%dma_start3A_88 : memref<10112x128xf32, #tpu.memory_space<vmem_shared>>) offsets(%dma_start3A_85 : memref<64xi32, #tpu.memory_space<vmem>>) semaphore(%run_scoped3A_82 : memref<!tpu.dma_semaphore, #tpu.memory_space<semaphore_mem>>) {add = true}
        %dma_wait3A_89 = arith.constant 0 : i32
        %dma_wait3A_90 = tpu.memref_slice %arg8[%run_scoped3A_51, %dma_wait3A_89] : memref<2x64xi32, #tpu.memory_space<vmem>> -> memref<1x64xi32, #tpu.memory_space<vmem>>
        %dma_wait3A_91 = tpu.memref_squeeze %dma_wait3A_90 : memref<1x64xi32, #tpu.memory_space<vmem>> -> memref<64xi32, #tpu.memory_space<vmem>>
        %dma_wait3A_92 = arith.constant 0 : i32
        %dma_wait3A_93 = arith.constant 0 : i32
        %dma_wait3A_94 = tpu.memref_slice %arg13[%dma_wait3A_92, %dma_wait3A_93] : memref<10112x128xf32, #tpu.memory_space<vmem_shared>> -> memref<10112x128xf32, #tpu.memory_space<vmem_shared>>
        tpu.wait_indirect_dma semaphore(%run_scoped3A_82 : memref<!tpu.dma_semaphore, #tpu.memory_space<semaphore_mem>>) src(%arg10 : memref<64x128xf32, #tpu.memory_space<vmem>>) dst(%dma_wait3A_94 : memref<10112x128xf32, #tpu.memory_space<vmem_shared>>)
        tpu.yield
      }) : () -> ()
      %mul3A_52 = arith.constant 2 : i32
      %mul3A_53 = arith.muli %scan3A_22, %mul3A_52 : i32
      %add3A_54 = arith.constant 1 : i32
      %add3A_55 = arith.addi %mul3A_53, %add3A_54 : i32
      %add3A_56 = arith.constant 1 : i32
      %add3A_57 = arith.addi %add3A_55, %add3A_56 : i32
      %rem3A_58 = arith.constant 158 : i32
      %rem3A_59 = arith.remsi %add3A_57, %rem3A_58 : i32
      "tpu.region"() ({
        %run_scoped3A_82 = tpu.sem_alloc : memref<!tpu.dma_semaphore, #tpu.memory_space<semaphore_mem>>
        %dma_start3A_83 = arith.constant 0 : i32
        %dma_start3A_84 = arith.constant 0 : i32
        %dma_start3A_85 = tpu.memref_slice %arg3[%add3A, %rem3A_59, %dma_start3A_83, %dma_start3A_84] : memref<32x158x2x64xi32, #tpu.memory_space<hbm>> -> memref<1x1x2x64xi32, #tpu.memory_space<hbm>>
        %dma_start3A_86 = tpu.memref_squeeze %dma_start3A_85 : memref<1x1x2x64xi32, #tpu.memory_space<hbm>> -> memref<2x64xi32, #tpu.memory_space<hbm>>
        %dma_start3A_87 = arith.constant 0 : i32
        %dma_start3A_88 = arith.constant 0 : i32
        %dma_start3A_89 = tpu.memref_slice %arg3[%add3A, %rem3A_59, %dma_start3A_87, %dma_start3A_88] : memref<32x158x2x64xi32, #tpu.memory_space<hbm>> -> memref<1x1x2x64xi32, #tpu.memory_space<hbm>>
        %dma_start3A_90 = tpu.memref_squeeze %dma_start3A_89 : memref<1x1x2x64xi32, #tpu.memory_space<hbm>> -> memref<2x64xi32, #tpu.memory_space<hbm>>
        tpu.enqueue_dma source(%dma_start3A_90 : memref<2x64xi32, #tpu.memory_space<hbm>>) target(%arg8 : memref<2x64xi32, #tpu.memory_space<vmem>>) target_semaphore(%run_scoped3A_82 : memref<!tpu.dma_semaphore, #tpu.memory_space<semaphore_mem>>)
        %dma_wait3A_91 = arith.constant 0 : i32
        %dma_wait3A_92 = arith.constant 0 : i32
        %dma_wait3A_93 = tpu.memref_slice %arg3[%add3A, %rem3A_59, %dma_wait3A_91, %dma_wait3A_92] : memref<32x158x2x64xi32, #tpu.memory_space<hbm>> -> memref<1x1x2x64xi32, #tpu.memory_space<hbm>>
        %dma_wait3A_94 = tpu.memref_squeeze %dma_wait3A_93 : memref<1x1x2x64xi32, #tpu.memory_space<hbm>> -> memref<2x64xi32, #tpu.memory_space<hbm>>
        %dma_wait3A_95 = arith.constant 0 : i32
        %dma_wait3A_96 = arith.constant 0 : i32
        %dma_wait3A_97 = tpu.memref_slice %arg3[%add3A, %rem3A_59, %dma_wait3A_95, %dma_wait3A_96] : memref<32x158x2x64xi32, #tpu.memory_space<hbm>> -> memref<1x1x2x64xi32, #tpu.memory_space<hbm>>
        %dma_wait3A_98 = tpu.memref_squeeze %dma_wait3A_97 : memref<1x1x2x64xi32, #tpu.memory_space<hbm>> -> memref<2x64xi32, #tpu.memory_space<hbm>>
        tpu.wait_dma2 semaphore(%run_scoped3A_82 : memref<!tpu.dma_semaphore, #tpu.memory_space<semaphore_mem>>) src(%dma_wait3A_98 : memref<2x64xi32, #tpu.memory_space<hbm>>) dst(%arg8 : memref<2x64xi32, #tpu.memory_space<vmem>>)
        tpu.yield
      }) : () -> ()
      %dma_start3A_60 = arith.constant 0 : i32
      %dma_start3A_61 = arith.constant 0 : i32
      %dma_start3A_62 = tpu.memref_slice %arg8[%dma_start3A_60, %dma_start3A_61] : memref<2x64xi32, #tpu.memory_space<vmem>> -> memref<1x64xi32, #tpu.memory_space<vmem>>
      %dma_start3A_63 = tpu.memref_squeeze %dma_start3A_62 : memref<1x64xi32, #tpu.memory_space<vmem>> -> memref<64xi32, #tpu.memory_space<vmem>>
      %dma_start3A_64 = arith.constant 0 : i32
      %dma_start3A_65 = arith.constant 0 : i32
      %dma_start3A_66 = tpu.memref_slice %arg2[%dma_start3A_64, %dma_start3A_65] : memref<10000x128xf32, #tpu.memory_space<hbm>> -> memref<10000x128xf32, #tpu.memory_space<hbm>>
      tpu.enqueue_indirect_dma source(%dma_start3A_66 : memref<10000x128xf32, #tpu.memory_space<hbm>>) target(%arg10 : memref<64x128xf32, #tpu.memory_space<vmem>>) offsets(%dma_start3A_63 : memref<64xi32, #tpu.memory_space<vmem>>) semaphore(%arg14 : memref<!tpu.dma_semaphore, #tpu.memory_space<semaphore_mem>>)
      %scan3A_67 = arith.constant 0 : i32
      %scan3A_68 = arith.constant 0 : i32
      %scan3A_69 = arith.constant 4 : i32
      %scan3A_70 = arith.addi %scan3A_68, %scan3A_69 : i32
      %scan3A_71 = arith.constant 1 : i32
      %scan3A_72 = scf.for %scan3A_82 = %scan3A_68 to %scan3A_70 step %scan3A_71 iter_args(%scan3A_83 = %scan3A_67) -> (i32)  : i32 {
        %mul3A_84 = arith.constant 16 : i32
        %mul3A_85 = arith.muli %scan3A_82, %mul3A_84 : i32
        %get3A = arith.constant 1 : i32
        %get3A_86 = arith.index_cast %get3A : i32 to index
        %get3A_87 = arith.index_cast %mul3A_85 : i32 to index
        %get3A_88 = tpu.vector_load %arg9[%get3A_86, %get3A_87] {strides = array<i32>} : memref<2x64xi32, #tpu.memory_space<vmem>>, vector<16xi32>,
        tpu.vector_store_idx %arg12[%get3A_88], %broadcast_in_dim3A_3 {add = true} : memref<10112xf32, #tpu.memory_space<vmem>>[vector<16xi32>], vector<16xf32>,
        %scan3A_89 = arith.constant 0 : i32
        scf.yield %scan3A_89 : i32
      }
      %scan3A_73 = arith.constant 4 : i32
      %dma_wait3A_74 = arith.constant 0 : i32
      %dma_wait3A_75 = arith.constant 0 : i32
      %dma_wait3A_76 = tpu.memref_slice %arg4[%dma_wait3A_74, %dma_wait3A_75] : memref<10112x128xf32, #tpu.memory_space<hbm>> -> memref<64x128xf32, #tpu.memory_space<hbm>>
      %dma_wait3A_77 = arith.constant 0 : i32
      %dma_wait3A_78 = arith.constant 0 : i32
      %dma_wait3A_79 = tpu.memref_slice %arg4[%dma_wait3A_77, %dma_wait3A_78] : memref<10112x128xf32, #tpu.memory_space<hbm>> -> memref<64x128xf32, #tpu.memory_space<hbm>>
      tpu.wait_dma2 semaphore(%arg15 : memref<!tpu.dma_semaphore, #tpu.memory_space<semaphore_mem>>) src(%dma_wait3A_79 : memref<64x128xf32, #tpu.memory_space<hbm>>) dst(%arg11 : memref<64x128xf32, #tpu.memory_space<vmem>>)
      %run_scoped3A_80 = arith.constant 1 : i32
      "tpu.region"() ({
        %run_scoped3A_82 = tpu.sem_alloc : memref<!tpu.dma_semaphore, #tpu.memory_space<semaphore_mem>>
        %dma_start3A_83 = arith.constant 0 : i32
        %dma_start3A_84 = tpu.memref_slice %arg9[%run_scoped3A_80, %dma_start3A_83] : memref<2x64xi32, #tpu.memory_space<vmem>> -> memref<1x64xi32, #tpu.memory_space<vmem>>
        %dma_start3A_85 = tpu.memref_squeeze %dma_start3A_84 : memref<1x64xi32, #tpu.memory_space<vmem>> -> memref<64xi32, #tpu.memory_space<vmem>>
        %dma_start3A_86 = arith.constant 0 : i32
        %dma_start3A_87 = arith.constant 0 : i32
        %dma_start3A_88 = tpu.memref_slice %arg13[%dma_start3A_86, %dma_start3A_87] : memref<10112x128xf32, #tpu.memory_space<vmem_shared>> -> memref<10112x128xf32, #tpu.memory_space<vmem_shared>>
        tpu.enqueue_indirect_dma source(%arg11 : memref<64x128xf32, #tpu.memory_space<vmem>>) target(%dma_start3A_88 : memref<10112x128xf32, #tpu.memory_space<vmem_shared>>) offsets(%dma_start3A_85 : memref<64xi32, #tpu.memory_space<vmem>>) semaphore(%run_scoped3A_82 : memref<!tpu.dma_semaphore, #tpu.memory_space<semaphore_mem>>) {add = true}
        %dma_wait3A_89 = arith.constant 0 : i32
        %dma_wait3A_90 = tpu.memref_slice %arg9[%run_scoped3A_80, %dma_wait3A_89] : memref<2x64xi32, #tpu.memory_space<vmem>> -> memref<1x64xi32, #tpu.memory_space<vmem>>
        %dma_wait3A_91 = tpu.memref_squeeze %dma_wait3A_90 : memref<1x64xi32, #tpu.memory_space<vmem>> -> memref<64xi32, #tpu.memory_space<vmem>>
        %dma_wait3A_92 = arith.constant 0 : i32
        %dma_wait3A_93 = arith.constant 0 : i32
        %dma_wait3A_94 = tpu.memref_slice %arg13[%dma_wait3A_92, %dma_wait3A_93] : memref<10112x128xf32, #tpu.memory_space<vmem_shared>> -> memref<10112x128xf32, #tpu.memory_space<vmem_shared>>
        tpu.wait_indirect_dma semaphore(%run_scoped3A_82 : memref<!tpu.dma_semaphore, #tpu.memory_space<semaphore_mem>>) src(%arg11 : memref<64x128xf32, #tpu.memory_space<vmem>>) dst(%dma_wait3A_94 : memref<10112x128xf32, #tpu.memory_space<vmem_shared>>)
        tpu.yield
      }) : () -> ()
      %scan3A_81 = arith.constant 0 : i32
      scf.yield %scan3A_81 : i32
    }
    %scan3A_15 = arith.constant 79 : i32
    %dma_wait3A = arith.constant 0 : i32
    %dma_wait3A_16 = arith.constant 0 : i32
    %dma_wait3A_17 = tpu.memref_slice %arg4[%dma_wait3A, %dma_wait3A_16] : memref<10112x128xf32, #tpu.memory_space<hbm>> -> memref<64x128xf32, #tpu.memory_space<hbm>>
    %dma_wait3A_18 = arith.constant 0 : i32
    %dma_wait3A_19 = arith.constant 0 : i32
    %dma_wait3A_20 = tpu.memref_slice %arg4[%dma_wait3A_18, %dma_wait3A_19] : memref<10112x128xf32, #tpu.memory_space<hbm>> -> memref<64x128xf32, #tpu.memory_space<hbm>>
    tpu.wait_dma2 semaphore(%arg14 : memref<!tpu.dma_semaphore, #tpu.memory_space<semaphore_mem>>) src(%dma_wait3A_20 : memref<64x128xf32, #tpu.memory_space<hbm>>) dst(%arg10 : memref<64x128xf32, #tpu.memory_space<vmem>>)
    %barrier3A_21 = arith.constant 0 : index
    tpu.barrier barrier_id(%barrier3A_21)
    "tpu.region"() ({
      %run_scoped3A_22 = tpu.sem_alloc : memref<!tpu.dma_semaphore, #tpu.memory_space<semaphore_mem>>
      %dma_start3A_23 = arith.constant 0 : i32
      %dma_start3A_24 = tpu.memref_slice %arg6[%arg0, %mul3A_2, %dma_start3A_23] : memref<2x10112x128xf32, #tpu.memory_space<hbm>> -> memref<1x632x128xf32, #tpu.memory_space<hbm>>
      %dma_start3A_25 = tpu.memref_squeeze %dma_start3A_24 : memref<1x632x128xf32, #tpu.memory_space<hbm>> -> memref<632x128xf32, #tpu.memory_space<hbm>>
      %dma_start3A_26 = arith.constant 0 : i32
      %dma_start3A_27 = tpu.memref_slice %arg13[%mul3A_2, %dma_start3A_26] : memref<10112x128xf32, #tpu.memory_space<vmem_shared>> -> memref<632x128xf32, #tpu.memory_space<vmem_shared>>
      tpu.enqueue_dma source(%dma_start3A_27 : memref<632x128xf32, #tpu.memory_space<vmem_shared>>) target(%dma_start3A_25 : memref<632x128xf32, #tpu.memory_space<hbm>>) target_semaphore(%run_scoped3A_22 : memref<!tpu.dma_semaphore, #tpu.memory_space<semaphore_mem>>)
      %dma_wait3A_28 = arith.constant 0 : i32
      %dma_wait3A_29 = tpu.memref_slice %arg6[%arg0, %mul3A_2, %dma_wait3A_28] : memref<2x10112x128xf32, #tpu.memory_space<hbm>> -> memref<1x632x128xf32, #tpu.memory_space<hbm>>
      %dma_wait3A_30 = tpu.memref_squeeze %dma_wait3A_29 : memref<1x632x128xf32, #tpu.memory_space<hbm>> -> memref<632x128xf32, #tpu.memory_space<hbm>>
      %dma_wait3A_31 = arith.constant 0 : i32
      %dma_wait3A_32 = tpu.memref_slice %arg13[%mul3A_2, %dma_wait3A_31] : memref<10112x128xf32, #tpu.memory_space<vmem_shared>> -> memref<632x128xf32, #tpu.memory_space<vmem_shared>>
      tpu.wait_dma2 semaphore(%run_scoped3A_22 : memref<!tpu.dma_semaphore, #tpu.memory_space<semaphore_mem>>) src(%dma_wait3A_32 : memref<632x128xf32, #tpu.memory_space<vmem_shared>>) dst(%dma_wait3A_30 : memref<632x128xf32, #tpu.memory_space<hbm>>)
      tpu.yield
    }) : () -> ()
    "tpu.region"() ({
      %run_scoped3A_22 = tpu.sem_alloc : memref<!tpu.dma_semaphore, #tpu.memory_space<semaphore_mem>>
      %dma_start3A_23 = arith.constant 0 : i32
      %dma_start3A_24 = tpu.memref_slice %arg7[%add3A, %dma_start3A_23] : memref<32x10112xf32, #tpu.memory_space<hbm>> -> memref<1x10112xf32, #tpu.memory_space<hbm>>
      %dma_start3A_25 = tpu.memref_squeeze %dma_start3A_24 : memref<1x10112xf32, #tpu.memory_space<hbm>> -> memref<10112xf32, #tpu.memory_space<hbm>>
      %dma_start3A_26 = arith.constant 0 : i32
      %dma_start3A_27 = tpu.memref_slice %arg7[%add3A, %dma_start3A_26] : memref<32x10112xf32, #tpu.memory_space<hbm>> -> memref<1x10112xf32, #tpu.memory_space<hbm>>
      %dma_start3A_28 = tpu.memref_squeeze %dma_start3A_27 : memref<1x10112xf32, #tpu.memory_space<hbm>> -> memref<10112xf32, #tpu.memory_space<hbm>>
      tpu.enqueue_dma source(%arg12 : memref<10112xf32, #tpu.memory_space<vmem>>) target(%dma_start3A_28 : memref<10112xf32, #tpu.memory_space<hbm>>) target_semaphore(%run_scoped3A_22 : memref<!tpu.dma_semaphore, #tpu.memory_space<semaphore_mem>>)
      %dma_wait3A_29 = arith.constant 0 : i32
      %dma_wait3A_30 = tpu.memref_slice %arg7[%add3A, %dma_wait3A_29] : memref<32x10112xf32, #tpu.memory_space<hbm>> -> memref<1x10112xf32, #tpu.memory_space<hbm>>
      %dma_wait3A_31 = tpu.memref_squeeze %dma_wait3A_30 : memref<1x10112xf32, #tpu.memory_space<hbm>> -> memref<10112xf32, #tpu.memory_space<hbm>>
      %dma_wait3A_32 = arith.constant 0 : i32
      %dma_wait3A_33 = tpu.memref_slice %arg7[%add3A, %dma_wait3A_32] : memref<32x10112xf32, #tpu.memory_space<hbm>> -> memref<1x10112xf32, #tpu.memory_space<hbm>>
      %dma_wait3A_34 = tpu.memref_squeeze %dma_wait3A_33 : memref<1x10112xf32, #tpu.memory_space<hbm>> -> memref<10112xf32, #tpu.memory_space<hbm>>
      tpu.wait_dma2 semaphore(%run_scoped3A_22 : memref<!tpu.dma_semaphore, #tpu.memory_space<semaphore_mem>>) src(%arg12 : memref<10112xf32, #tpu.memory_space<vmem>>) dst(%dma_wait3A_34 : memref<10112xf32, #tpu.memory_space<hbm>>)
      tpu.yield
    }) : () -> ()
    return
  }
}

module attributes {stable_mosaic.version = 14 : i64} {
  func.func @_layer_body(%arg0: memref<10000x128xf32, #tpu.memory_space<vmem>>, %arg1: memref<2x10112x128xf32, #tpu.memory_space<vmem>>, %arg2: memref<32x10112xf32, #tpu.memory_space<vmem>>, %arg3: memref<128x128xf32, #tpu.memory_space<vmem>>, %arg4: memref<128x128xf32, #tpu.memory_space<vmem>>, %arg5: memref<128xf32, #tpu.memory_space<vmem>>, %arg6: memref<128xf32, #tpu.memory_space<vmem>>, %arg7: memref<128xf32, #tpu.memory_space<vmem>>, %arg8: memref<10000x128xf32, #tpu.memory_space<vmem>>, %arg9: memref<10112xf32, #tpu.memory_space<vmem>>) attributes {dimension_semantics = [], scalar_prefetch = 0 : i64, scratch_operands = 0 : i64, tpu.core_type = #tpu.core_type<tc>} {
    %get3A = arith.constant 0 : index
    %get3A_0 = arith.constant 0 : index
    %get3A_1 = vector.load %arg0[%get3A, %get3A_0] : memref<10000x128xf32, #tpu.memory_space<vmem>>, vector<10000x128xf32>
    %get3A_2 = arith.constant 0 : index
    %get3A_3 = arith.constant 0 : index
    %get3A_4 = arith.constant 0 : index
    %get3A_5 = vector.load %arg1[%get3A_2, %get3A_3, %get3A_4] : memref<2x10112x128xf32, #tpu.memory_space<vmem>>, vector<1x10000x128xf32>
    %get3A_6 = vector.shape_cast %get3A_5 : vector<1x10000x128xf32> to vector<10000x128xf32>
    %get3A_7 = arith.constant 1 : index
    %get3A_8 = arith.constant 0 : index
    %get3A_9 = arith.constant 0 : index
    %get3A_10 = vector.load %arg1[%get3A_7, %get3A_8, %get3A_9] : memref<2x10112x128xf32, #tpu.memory_space<vmem>>, vector<1x10000x128xf32>
    %get3A_11 = vector.shape_cast %get3A_10 : vector<1x10000x128xf32> to vector<10000x128xf32>
    %add3A = arith.addf %get3A_6, %get3A_11 : vector<10000x128xf32>
    %get3A_12 = arith.constant 0 : index
    %get3A_13 = arith.constant 0 : index
    %get3A_14 = vector.load %arg2[%get3A_12, %get3A_13] : memref<32x10112xf32, #tpu.memory_space<vmem>>, vector<32x10112xf32>
    %reduce_sum3A = arith.constant dense<0.000000e+00> : vector<10112xf32>
    %reduce_sum3A_15 = vector.multi_reduction <add>, %get3A_14, %reduce_sum3A [0] : vector<32x10112xf32> to vector<10112xf32>
    %slice3A = vector.extract_strided_slice %reduce_sum3A_15 {offsets = [0], sizes = [10000], strides = [1]} : vector<10112xf32> to vector<10000xf32>
    %broadcast_in_dim3A = vector.shape_cast %slice3A : vector<10000xf32> to vector<10000x1xf32>
    %gt3A = arith.constant 0.000000e+00 : f32
    %gt3A_16 = vector.broadcast %gt3A : f32 to vector<10000x1xf32>
    %gt3A_17 = arith.cmpf ogt, %broadcast_in_dim3A, %gt3A_16 : vector<10000x1xf32>
    %max3A = arith.constant 1.000000e+00 : f32
    %max3A_18 = vector.broadcast %max3A : f32 to vector<10000x1xf32>
    %max3A_19 = arith.maximumf %broadcast_in_dim3A, %max3A_18 : vector<10000x1xf32>
    %div3A = vector.broadcast %max3A_19 : vector<10000x1xf32> to vector<10000x128xf32>
    %div3A_20 = arith.divf %add3A, %div3A : vector<10000x128xf32>
    %jit3A = arith.constant 0.000000e+00 : f32
    %broadcast_in_dim3A_21 = vector.shape_cast %gt3A_17 : vector<10000x1xi1> to vector<10000x1xi1>
    %broadcast_in_dim3A_22 = vector.broadcast %broadcast_in_dim3A_21 : vector<10000x1xi1> to vector<10000x128xi1>
    %broadcast_in_dim3A_23 = vector.broadcast %jit3A : f32 to vector<10000x128xf32>
    %select_n3A = arith.select %broadcast_in_dim3A_22, %div3A_20, %broadcast_in_dim3A_23 : vector<10000x128xi1>, vector<10000x128xf32>
    %get3A_24 = arith.constant 0 : index
    %get3A_25 = arith.constant 0 : index
    %get3A_26 = vector.load %arg3[%get3A_24, %get3A_25] : memref<128x128xf32, #tpu.memory_space<vmem>>, vector<128x128xf32>
    %dot_general3A = arith.constant dense<0.000000e+00> : vector<10000x128xf32>
    %dot_general3A_27 = tpu.matmul %get3A_1, %get3A_26, %dot_general3A {dimension_numbers = #tpu.dot_dimension_numbers<[1], [0], [0], [1], [0, 0, 1, 1], [], []>, transpose_lhs_hint = false} : vector<10000x128xf32>, vector<128x128xf32>, vector<10000x128xf32> -> vector<10000x128xf32>
    %get3A_28 = arith.constant 0 : index
    %get3A_29 = arith.constant 0 : index
    %get3A_30 = vector.load %arg4[%get3A_28, %get3A_29] : memref<128x128xf32, #tpu.memory_space<vmem>>, vector<128x128xf32>
    %dot_general3A_31 = arith.constant dense<0.000000e+00> : vector<10000x128xf32>
    %dot_general3A_32 = tpu.matmul %select_n3A, %get3A_30, %dot_general3A_31 {dimension_numbers = #tpu.dot_dimension_numbers<[1], [0], [0], [1], [0, 0, 1, 1], [], []>, transpose_lhs_hint = false} : vector<10000x128xf32>, vector<128x128xf32>, vector<10000x128xf32> -> vector<10000x128xf32>
    %add3A_33 = arith.addf %dot_general3A_27, %dot_general3A_32 : vector<10000x128xf32>
    %get3A_34 = arith.constant 0 : index
    %get3A_35 = vector.load %arg5[%get3A_34] : memref<128xf32, #tpu.memory_space<vmem>>, vector<128xf32>
    %broadcast_in_dim3A_36 = vector.shape_cast %get3A_35 : vector<128xf32> to vector<1x128xf32>
    %add3A_37 = vector.broadcast %broadcast_in_dim3A_36 : vector<1x128xf32> to vector<10000x128xf32>
    %add3A_38 = arith.addf %add3A_33, %add3A_37 : vector<10000x128xf32>
    %reduce_sum3A_39 = arith.constant dense<0.000000e+00> : vector<128xf32>
    %reduce_sum3A_40 = vector.multi_reduction <add>, %add3A_38, %reduce_sum3A_39 [0] : vector<10000x128xf32> to vector<128xf32>
    %broadcast_in_dim3A_41 = vector.shape_cast %reduce_sum3A_40 : vector<128xf32> to vector<1x128xf32>
    %div3A_42 = arith.constant 1.000000e+04 : f32
    %div3A_43 = vector.broadcast %div3A_42 : f32 to vector<1x128xf32>
    %div3A_44 = arith.divf %broadcast_in_dim3A_41, %div3A_43 : vector<1x128xf32>
    %sub3A = vector.broadcast %div3A_44 : vector<1x128xf32> to vector<10000x128xf32>
    %sub3A_45 = arith.subf %add3A_38, %sub3A : vector<10000x128xf32>
    %square3A = arith.mulf %sub3A_45, %sub3A_45 : vector<10000x128xf32>
    %reduce_sum3A_46 = arith.constant dense<0.000000e+00> : vector<128xf32>
    %reduce_sum3A_47 = vector.multi_reduction <add>, %square3A, %reduce_sum3A_46 [0] : vector<10000x128xf32> to vector<128xf32>
    %broadcast_in_dim3A_48 = vector.shape_cast %reduce_sum3A_47 : vector<128xf32> to vector<1x128xf32>
    %div3A_49 = arith.constant 1.000000e+04 : f32
    %div3A_50 = vector.broadcast %div3A_49 : f32 to vector<1x128xf32>
    %div3A_51 = arith.divf %broadcast_in_dim3A_48, %div3A_50 : vector<1x128xf32>
    %get3A_52 = arith.constant 0 : index
    %get3A_53 = vector.load %arg6[%get3A_52] : memref<128xf32, #tpu.memory_space<vmem>>, vector<128xf32>
    %sub3A_54 = vector.broadcast %div3A_44 : vector<1x128xf32> to vector<10000x128xf32>
    %sub3A_55 = arith.subf %add3A_38, %sub3A_54 : vector<10000x128xf32>
    %broadcast_in_dim3A_56 = vector.shape_cast %get3A_53 : vector<128xf32> to vector<1x128xf32>
    %mul3A = vector.broadcast %broadcast_in_dim3A_56 : vector<1x128xf32> to vector<10000x128xf32>
    %mul3A_57 = arith.mulf %mul3A, %sub3A_55 : vector<10000x128xf32>
    %add3A_58 = arith.constant 9.99999974E-6 : f32
    %add3A_59 = vector.broadcast %add3A_58 : f32 to vector<1x128xf32>
    %add3A_60 = arith.addf %div3A_51, %add3A_59 : vector<1x128xf32>
    %rsqrt3A = math.rsqrt %add3A_60 : vector<1x128xf32>
    %mul3A_61 = vector.broadcast %rsqrt3A : vector<1x128xf32> to vector<10000x128xf32>
    %mul3A_62 = arith.mulf %mul3A_57, %mul3A_61 : vector<10000x128xf32>
    %get3A_63 = arith.constant 0 : index
    %get3A_64 = vector.load %arg7[%get3A_63] : memref<128xf32, #tpu.memory_space<vmem>>, vector<128xf32>
    %broadcast_in_dim3A_65 = vector.shape_cast %get3A_64 : vector<128xf32> to vector<1x128xf32>
    %add3A_66 = vector.broadcast %broadcast_in_dim3A_65 : vector<1x128xf32> to vector<10000x128xf32>
    %add3A_67 = arith.addf %mul3A_62, %add3A_66 : vector<10000x128xf32>
    %max3A_68 = arith.constant 0.000000e+00 : f32
    %max3A_69 = vector.broadcast %max3A_68 : f32 to vector<10000x128xf32>
    %max3A_70 = arith.maximumf %add3A_67, %max3A_69 : vector<10000x128xf32>
    %swap3A = arith.constant 0 : index
    %swap3A_71 = arith.constant 0 : index
    %swap3A_72 = vector.load %arg8[%swap3A, %swap3A_71] : memref<10000x128xf32, #tpu.memory_space<vmem>>, vector<10000x128xf32>
    tpu.vector_store %arg8[%swap3A, %swap3A_71], %max3A_70 {strides = array<i32>} : memref<10000x128xf32, #tpu.memory_space<vmem>>, vector<10000x128xf32>,
    %iota3A = tpu.iota {dimensions = array<i32: 1>} : vector<1x10112xi32>
    %iota3A_73 = vector.shape_cast %iota3A : vector<1x10112xi32> to vector<10112xi32>
    %lt3A = arith.constant 10000 : i32
    %lt3A_74 = vector.broadcast %lt3A : i32 to vector<10112xi32>
    %lt3A_75 = arith.cmpi slt, %iota3A_73, %lt3A_74 : vector<10112xi32>
    %max3A_76 = arith.constant 1.000000e+00 : f32
    %max3A_77 = vector.broadcast %max3A_76 : f32 to vector<10112xf32>
    %max3A_78 = arith.maximumf %reduce_sum3A_15, %max3A_77 : vector<10112xf32>
    %div3A_79 = arith.constant 1.000000e+00 : f32
    %div3A_80 = vector.broadcast %div3A_79 : f32 to vector<10112xf32>
    %div3A_81 = arith.divf %div3A_80, %max3A_78 : vector<10112xf32>
    %jit3A_82 = arith.constant 0.000000e+00 : f32
    %broadcast_in_dim3A_83 = vector.broadcast %jit3A_82 : f32 to vector<10112xf32>
    %select_n3A_84 = arith.select %lt3A_75, %div3A_81, %broadcast_in_dim3A_83 : vector<10112xi1>, vector<10112xf32>
    %swap3A_85 = arith.constant 0 : index
    %swap3A_86 = vector.load %arg9[%swap3A_85] : memref<10112xf32, #tpu.memory_space<vmem>>, vector<10112xf32>
    tpu.vector_store %arg9[%swap3A_85], %select_n3A_84 {strides = array<i32>} : memref<10112xf32, #tpu.memory_space<vmem>>, vector<10112xf32>,
    return
  }
}

module attributes {stable_mosaic.version = 14 : i64} {
  func.func @_layer_body(%arg0: memref<10000x128xf32, #tpu.memory_space<vmem>>, %arg1: memref<2x10112x128xf32, #tpu.memory_space<vmem>>, %arg2: memref<32x10112xf32, #tpu.memory_space<vmem>>, %arg3: memref<128x128xf32, #tpu.memory_space<vmem>>, %arg4: memref<128x128xf32, #tpu.memory_space<vmem>>, %arg5: memref<128xf32, #tpu.memory_space<vmem>>, %arg6: memref<128xf32, #tpu.memory_space<vmem>>, %arg7: memref<128xf32, #tpu.memory_space<vmem>>, %arg8: memref<10000x128xf32, #tpu.memory_space<vmem>>) attributes {dimension_semantics = [], scalar_prefetch = 0 : i64, scratch_operands = 0 : i64, tpu.core_type = #tpu.core_type<tc>} {
    %get3A = arith.constant 0 : index
    %get3A_0 = arith.constant 0 : index
    %get3A_1 = vector.load %arg0[%get3A, %get3A_0] : memref<10000x128xf32, #tpu.memory_space<vmem>>, vector<10000x128xf32>
    %get3A_2 = arith.constant 0 : index
    %get3A_3 = arith.constant 0 : index
    %get3A_4 = arith.constant 0 : index
    %get3A_5 = vector.load %arg1[%get3A_2, %get3A_3, %get3A_4] : memref<2x10112x128xf32, #tpu.memory_space<vmem>>, vector<1x10000x128xf32>
    %get3A_6 = vector.shape_cast %get3A_5 : vector<1x10000x128xf32> to vector<10000x128xf32>
    %get3A_7 = arith.constant 1 : index
    %get3A_8 = arith.constant 0 : index
    %get3A_9 = arith.constant 0 : index
    %get3A_10 = vector.load %arg1[%get3A_7, %get3A_8, %get3A_9] : memref<2x10112x128xf32, #tpu.memory_space<vmem>>, vector<1x10000x128xf32>
    %get3A_11 = vector.shape_cast %get3A_10 : vector<1x10000x128xf32> to vector<10000x128xf32>
    %add3A = arith.addf %get3A_6, %get3A_11 : vector<10000x128xf32>
    %get3A_12 = arith.constant 0 : index
    %get3A_13 = arith.constant 0 : index
    %get3A_14 = vector.load %arg2[%get3A_12, %get3A_13] : memref<32x10112xf32, #tpu.memory_space<vmem>>, vector<32x10112xf32>
    %reduce_sum3A = arith.constant dense<0.000000e+00> : vector<10112xf32>
    %reduce_sum3A_15 = vector.multi_reduction <add>, %get3A_14, %reduce_sum3A [0] : vector<32x10112xf32> to vector<10112xf32>
    %slice3A = vector.extract_strided_slice %reduce_sum3A_15 {offsets = [0], sizes = [10000], strides = [1]} : vector<10112xf32> to vector<10000xf32>
    %broadcast_in_dim3A = vector.shape_cast %slice3A : vector<10000xf32> to vector<10000x1xf32>
    %gt3A = arith.constant 0.000000e+00 : f32
    %gt3A_16 = vector.broadcast %gt3A : f32 to vector<10000x1xf32>
    %gt3A_17 = arith.cmpf ogt, %broadcast_in_dim3A, %gt3A_16 : vector<10000x1xf32>
    %max3A = arith.constant 1.000000e+00 : f32
    %max3A_18 = vector.broadcast %max3A : f32 to vector<10000x1xf32>
    %max3A_19 = arith.maximumf %broadcast_in_dim3A, %max3A_18 : vector<10000x1xf32>
    %div3A = vector.broadcast %max3A_19 : vector<10000x1xf32> to vector<10000x128xf32>
    %div3A_20 = arith.divf %add3A, %div3A : vector<10000x128xf32>
    %jit3A = arith.constant 0.000000e+00 : f32
    %broadcast_in_dim3A_21 = vector.shape_cast %gt3A_17 : vector<10000x1xi1> to vector<10000x1xi1>
    %broadcast_in_dim3A_22 = vector.broadcast %broadcast_in_dim3A_21 : vector<10000x1xi1> to vector<10000x128xi1>
    %broadcast_in_dim3A_23 = vector.broadcast %jit3A : f32 to vector<10000x128xf32>
    %select_n3A = arith.select %broadcast_in_dim3A_22, %div3A_20, %broadcast_in_dim3A_23 : vector<10000x128xi1>, vector<10000x128xf32>
    %get3A_24 = arith.constant 0 : index
    %get3A_25 = arith.constant 0 : index
    %get3A_26 = vector.load %arg3[%get3A_24, %get3A_25] : memref<128x128xf32, #tpu.memory_space<vmem>>, vector<128x128xf32>
    %dot_general3A = arith.constant dense<0.000000e+00> : vector<10000x128xf32>
    %dot_general3A_27 = tpu.matmul %get3A_1, %get3A_26, %dot_general3A {dimension_numbers = #tpu.dot_dimension_numbers<[1], [0], [0], [1], [0, 0, 1, 1], [], []>, transpose_lhs_hint = false} : vector<10000x128xf32>, vector<128x128xf32>, vector<10000x128xf32> -> vector<10000x128xf32>
    %get3A_28 = arith.constant 0 : index
    %get3A_29 = arith.constant 0 : index
    %get3A_30 = vector.load %arg4[%get3A_28, %get3A_29] : memref<128x128xf32, #tpu.memory_space<vmem>>, vector<128x128xf32>
    %dot_general3A_31 = arith.constant dense<0.000000e+00> : vector<10000x128xf32>
    %dot_general3A_32 = tpu.matmul %select_n3A, %get3A_30, %dot_general3A_31 {dimension_numbers = #tpu.dot_dimension_numbers<[1], [0], [0], [1], [0, 0, 1, 1], [], []>, transpose_lhs_hint = false} : vector<10000x128xf32>, vector<128x128xf32>, vector<10000x128xf32> -> vector<10000x128xf32>
    %add3A_33 = arith.addf %dot_general3A_27, %dot_general3A_32 : vector<10000x128xf32>
    %get3A_34 = arith.constant 0 : index
    %get3A_35 = vector.load %arg5[%get3A_34] : memref<128xf32, #tpu.memory_space<vmem>>, vector<128xf32>
    %broadcast_in_dim3A_36 = vector.shape_cast %get3A_35 : vector<128xf32> to vector<1x128xf32>
    %add3A_37 = vector.broadcast %broadcast_in_dim3A_36 : vector<1x128xf32> to vector<10000x128xf32>
    %add3A_38 = arith.addf %add3A_33, %add3A_37 : vector<10000x128xf32>
    %reduce_sum3A_39 = arith.constant dense<0.000000e+00> : vector<128xf32>
    %reduce_sum3A_40 = vector.multi_reduction <add>, %add3A_38, %reduce_sum3A_39 [0] : vector<10000x128xf32> to vector<128xf32>
    %broadcast_in_dim3A_41 = vector.shape_cast %reduce_sum3A_40 : vector<128xf32> to vector<1x128xf32>
    %div3A_42 = arith.constant 1.000000e+04 : f32
    %div3A_43 = vector.broadcast %div3A_42 : f32 to vector<1x128xf32>
    %div3A_44 = arith.divf %broadcast_in_dim3A_41, %div3A_43 : vector<1x128xf32>
    %sub3A = vector.broadcast %div3A_44 : vector<1x128xf32> to vector<10000x128xf32>
    %sub3A_45 = arith.subf %add3A_38, %sub3A : vector<10000x128xf32>
    %square3A = arith.mulf %sub3A_45, %sub3A_45 : vector<10000x128xf32>
    %reduce_sum3A_46 = arith.constant dense<0.000000e+00> : vector<128xf32>
    %reduce_sum3A_47 = vector.multi_reduction <add>, %square3A, %reduce_sum3A_46 [0] : vector<10000x128xf32> to vector<128xf32>
    %broadcast_in_dim3A_48 = vector.shape_cast %reduce_sum3A_47 : vector<128xf32> to vector<1x128xf32>
    %div3A_49 = arith.constant 1.000000e+04 : f32
    %div3A_50 = vector.broadcast %div3A_49 : f32 to vector<1x128xf32>
    %div3A_51 = arith.divf %broadcast_in_dim3A_48, %div3A_50 : vector<1x128xf32>
    %get3A_52 = arith.constant 0 : index
    %get3A_53 = vector.load %arg6[%get3A_52] : memref<128xf32, #tpu.memory_space<vmem>>, vector<128xf32>
    %sub3A_54 = vector.broadcast %div3A_44 : vector<1x128xf32> to vector<10000x128xf32>
    %sub3A_55 = arith.subf %add3A_38, %sub3A_54 : vector<10000x128xf32>
    %broadcast_in_dim3A_56 = vector.shape_cast %get3A_53 : vector<128xf32> to vector<1x128xf32>
    %mul3A = vector.broadcast %broadcast_in_dim3A_56 : vector<1x128xf32> to vector<10000x128xf32>
    %mul3A_57 = arith.mulf %mul3A, %sub3A_55 : vector<10000x128xf32>
    %add3A_58 = arith.constant 9.99999974E-6 : f32
    %add3A_59 = vector.broadcast %add3A_58 : f32 to vector<1x128xf32>
    %add3A_60 = arith.addf %div3A_51, %add3A_59 : vector<1x128xf32>
    %rsqrt3A = math.rsqrt %add3A_60 : vector<1x128xf32>
    %mul3A_61 = vector.broadcast %rsqrt3A : vector<1x128xf32> to vector<10000x128xf32>
    %mul3A_62 = arith.mulf %mul3A_57, %mul3A_61 : vector<10000x128xf32>
    %get3A_63 = arith.constant 0 : index
    %get3A_64 = vector.load %arg7[%get3A_63] : memref<128xf32, #tpu.memory_space<vmem>>, vector<128xf32>
    %broadcast_in_dim3A_65 = vector.shape_cast %get3A_64 : vector<128xf32> to vector<1x128xf32>
    %add3A_66 = vector.broadcast %broadcast_in_dim3A_65 : vector<1x128xf32> to vector<10000x128xf32>
    %add3A_67 = arith.addf %mul3A_62, %add3A_66 : vector<10000x128xf32>
    %max3A_68 = arith.constant 0.000000e+00 : f32
    %max3A_69 = vector.broadcast %max3A_68 : f32 to vector<10000x128xf32>
    %max3A_70 = arith.maximumf %add3A_67, %max3A_69 : vector<10000x128xf32>
    %swap3A = arith.constant 0 : index
    %swap3A_71 = arith.constant 0 : index
    %swap3A_72 = vector.load %arg8[%swap3A, %swap3A_71] : memref<10000x128xf32, #tpu.memory_space<vmem>>, vector<10000x128xf32>
    tpu.vector_store %arg8[%swap3A, %swap3A_71], %max3A_70 {strides = array<i32>} : memref<10000x128xf32, #tpu.memory_space<vmem>>, vector<10000x128xf32>,
    return
  }
}

module attributes {stable_mosaic.version = 14 : i64} {
  func.func @_final_body(%arg0: memref<10000x128xf32, #tpu.memory_space<vmem>>, %arg1: memref<32x10112xf32, #tpu.memory_space<vmem>>, %arg2: memref<128x64xf32, #tpu.memory_space<vmem>>, %arg3: memref<128x64xf32, #tpu.memory_space<vmem>>, %arg4: memref<64xf32, #tpu.memory_space<vmem>>, %arg5: memref<1x64xf32, #tpu.memory_space<vmem>>) attributes {dimension_semantics = [], scalar_prefetch = 0 : i64, scratch_operands = 0 : i64, tpu.core_type = #tpu.core_type<tc>} {
    %get3A = arith.constant 0 : index
    %get3A_0 = arith.constant 0 : index
    %get3A_1 = vector.load %arg0[%get3A, %get3A_0] : memref<10000x128xf32, #tpu.memory_space<vmem>>, vector<10000x128xf32>
    %get3A_2 = arith.constant 0 : index
    %get3A_3 = arith.constant 0 : index
    %get3A_4 = vector.load %arg1[%get3A_2, %get3A_3] : memref<32x10112xf32, #tpu.memory_space<vmem>>, vector<32x10112xf32>
    %reduce_sum3A = arith.constant dense<0.000000e+00> : vector<10112xf32>
    %reduce_sum3A_5 = vector.multi_reduction <add>, %get3A_4, %reduce_sum3A [0] : vector<32x10112xf32> to vector<10112xf32>
    %slice3A = vector.extract_strided_slice %reduce_sum3A_5 {offsets = [0], sizes = [10000], strides = [1]} : vector<10112xf32> to vector<10000xf32>
    %broadcast_in_dim3A = vector.shape_cast %slice3A : vector<10000xf32> to vector<10000x1xf32>
    %mul3A = vector.broadcast %broadcast_in_dim3A : vector<10000x1xf32> to vector<10000x128xf32>
    %mul3A_6 = arith.mulf %get3A_1, %mul3A : vector<10000x128xf32>
    %reduce_sum3A_7 = arith.constant dense<0.000000e+00> : vector<128xf32>
    %reduce_sum3A_8 = vector.multi_reduction <add>, %mul3A_6, %reduce_sum3A_7 [0] : vector<10000x128xf32> to vector<128xf32>
    %broadcast_in_dim3A_9 = vector.shape_cast %reduce_sum3A_8 : vector<128xf32> to vector<1x128xf32>
    %reduce_sum3A_10 = arith.constant dense<0.000000e+00> : vector<128xf32>
    %reduce_sum3A_11 = vector.multi_reduction <add>, %get3A_1, %reduce_sum3A_10 [0] : vector<10000x128xf32> to vector<128xf32>
    %broadcast_in_dim3A_12 = vector.shape_cast %reduce_sum3A_11 : vector<128xf32> to vector<1x128xf32>
    %div3A = arith.constant 1.000000e+04 : f32
    %div3A_13 = vector.broadcast %div3A : f32 to vector<1x128xf32>
    %div3A_14 = arith.divf %broadcast_in_dim3A_12, %div3A_13 : vector<1x128xf32>
    %get3A_15 = arith.constant 0 : index
    %get3A_16 = arith.constant 0 : index
    %get3A_17 = vector.load %arg2[%get3A_15, %get3A_16] : memref<128x64xf32, #tpu.memory_space<vmem>>, vector<128x64xf32>
    %dot_general3A = arith.constant dense<0.000000e+00> : vector<1x64xf32>
    %dot_general3A_18 = tpu.matmul %div3A_14, %get3A_17, %dot_general3A {dimension_numbers = #tpu.dot_dimension_numbers<[1], [0], [0], [1], [0, 0, 1, 1], [], []>, transpose_lhs_hint = false} : vector<1x128xf32>, vector<128x64xf32>, vector<1x64xf32> -> vector<1x64xf32>
    %div3A_19 = arith.constant 1.000000e+04 : f32
    %div3A_20 = vector.broadcast %div3A_19 : f32 to vector<1x128xf32>
    %div3A_21 = arith.divf %broadcast_in_dim3A_9, %div3A_20 : vector<1x128xf32>
    %get3A_22 = arith.constant 0 : index
    %get3A_23 = arith.constant 0 : index
    %get3A_24 = vector.load %arg3[%get3A_22, %get3A_23] : memref<128x64xf32, #tpu.memory_space<vmem>>, vector<128x64xf32>
    %dot_general3A_25 = arith.constant dense<0.000000e+00> : vector<1x64xf32>
    %dot_general3A_26 = tpu.matmul %div3A_21, %get3A_24, %dot_general3A_25 {dimension_numbers = #tpu.dot_dimension_numbers<[1], [0], [0], [1], [0, 0, 1, 1], [], []>, transpose_lhs_hint = false} : vector<1x128xf32>, vector<128x64xf32>, vector<1x64xf32> -> vector<1x64xf32>
    %add3A = arith.addf %dot_general3A_18, %dot_general3A_26 : vector<1x64xf32>
    %get3A_27 = arith.constant 0 : index
    %get3A_28 = vector.load %arg4[%get3A_27] : memref<64xf32, #tpu.memory_space<vmem>>, vector<64xf32>
    %broadcast_in_dim3A_29 = vector.shape_cast %get3A_28 : vector<64xf32> to vector<1x64xf32>
    %add3A_30 = arith.addf %add3A, %broadcast_in_dim3A_29 : vector<1x64xf32>
    %reduce_max3A = arith.constant dense<0xFF800000> : vector<1xf32>
    %reduce_max3A_31 = vector.multi_reduction <maximumf>, %add3A_30, %reduce_max3A [1] : vector<1x64xf32> to vector<1xf32>
    %broadcast_in_dim3A_32 = vector.shape_cast %reduce_max3A_31 : vector<1xf32> to vector<1x1xf32>
    %sub3A = vector.broadcast %broadcast_in_dim3A_32 : vector<1x1xf32> to vector<1x64xf32>
    %sub3A_33 = arith.subf %add3A_30, %sub3A : vector<1x64xf32>
    %exp3A = math.exp %sub3A_33 : vector<1x64xf32>
    %reduce_sum3A_34 = arith.constant dense<0.000000e+00> : vector<1xf32>
    %reduce_sum3A_35 = vector.multi_reduction <add>, %exp3A, %reduce_sum3A_34 [1] : vector<1x64xf32> to vector<1xf32>
    %broadcast_in_dim3A_36 = vector.shape_cast %reduce_sum3A_35 : vector<1xf32> to vector<1x1xf32>
    %log3A = math.log %broadcast_in_dim3A_36 : vector<1x1xf32>
    %sub3A_37 = vector.broadcast %log3A : vector<1x1xf32> to vector<1x64xf32>
    %sub3A_38 = arith.subf %sub3A_33, %sub3A_37 : vector<1x64xf32>
    %swap3A = arith.constant 0 : index
    %swap3A_39 = arith.constant 0 : index
    %swap3A_40 = vector.load %arg5[%swap3A, %swap3A_39] : memref<1x64xf32, #tpu.memory_space<vmem>>, vector<1x64xf32>
    tpu.vector_store %arg5[%swap3A, %swap3A_39], %sub3A_38 {strides = array<i32>} : memref<1x64xf32, #tpu.memory_space<vmem>>, vector<1x64xf32>,
    return
  }
}

</mosaic_0001>

<sc_bundles>
// kernel: kernel.10.cloned.1.call-start
scs
__scs_entry_jumppad:
0x0: {  	(pc) =	sbr.rel $0x88, $3  }
0x1: {  	(tag) =	ssettag $0x0;
	lr =	simm.s32 $0x1  }
0x2: {  	[smem:$0x3F92] =	sst lr;
	_ =	strace $0xD0000000  }
0x3: {  	_ = 	snop  }
0x4: {  	_ = 	snop  }
0x5: {  	_ = 	snop  }
0x6: {  	_ = 	snop  }
0x7: {  	_ = 	snop  }
__scs_overlays_trampoline_lowered:
0x8: {  	[smem:$0x3FA1] =	sst s0  }
0x9: {  	[smem:$0x3FA2] =	sst s1  }
0xa: {  	[smem:$0x3FA3] =	sst s2  }
0xb: {  	[smem:$0x3FA4] =	sst s3  }
0xc: {  	[smem:$0x3FA5] =	sst s4  }
0xd: {  	[smem:$0x3FA6] =	sst s5  }
0xe: {  	[smem:$0x3FA7] =	sst s6  }
0xf: {  	[smem:$0x3FA8] =	sst s7  }
0x10: {  	[smem:$0x3FA9] =	sst s8  }
0x11: {  	[smem:$0x3FAA] =	sst s9;
	s0 =	simm.s32 @!p0 $0x0  }
0x12: {  	s1 =	sld [smem:$0x3F90];
	s0 =	simm.s32 @p0 $0x1  }
0x13: {  	[smem:$0x3FAB] =	sst s0;
	s0 =	simm.s32 @!p1 $0x0  }
0x14: {  	s2 =	sld [smem:$0x3F8F];
	s0 =	simm.s32 @p1 $0x1  }
0x15: {  	[smem:$0x3FAC] =	sst s0;
	s0 =	simm.s32 @!p2 $0x0  }
0x16: {  	s3 =	sld [smem:$0x3FDB];
	s0 =	simm.s32 @p2 $0x1  }
0x17: {  	s4 =	simm.s32 $0x1BF5;
	[smem:$0x3FAE] =	sst s0  }
0x18: {  	s0 =	sld [smem:$0x3F91];
	_ =	swait.ge [sflag:s4], $0x0  }
0x19: {  	s7 =	sld [smem:$0x3F92]  }
0x1a: {  	s8 =	sadd.s32 $0xFFFFE003, lr  }
0x1b: {  	s9 =	sadd.s32 $0xFFFFFEF7, lr;
	s5 =	simm.s32 $0xFFFFFFFF;
	p2 =	slt.u32 s8, $0xFFFFF086  }
0x1c: {  	p1 =	slt.u32 s9, $0xF7A;
	s5 =	simm.s32 @!p2 $0x0  }
0x1d: {  	s5 =	simm.s32 @p1 $0x1;
	p0 =	seq.s32 s7, s2  }
0x1e: {  	s7 =	smul.u32 @!p0 $0xF7A, s2;
	p2 =	seq.s32 @!p0 s5, $0x0  }
0x1f: {  	s9 =	smul.u32 $0xF7A, s1;
	s8 =	simm.s32 @!p0 $0x1BF5;
	p2 =	por !p2, p0  }
0x20: {  	[sflag:s8] =	ssyncset.s32 @!p0 $0xFFFFF086;
	s6 =	sadd.s32 @!p0 s3, s7;
	s7 =	simm.s32 @!p0 $0x108  }
0x21: {  	s3 =	sadd.s32 s3, s9;
	s6 =	sadd.s32 @!p0 $0x88, s6;
	s7 =	simm.s32 @p2 $0x1082  }
0x22: {  	[simem:s7], [sflag:s8] =	dma.local @!p0 [hbm:s6], $0xF7A  }
0x23: {  	s9 =	sor.u32 $0xD0000000, s2;
	s6 =	simm.s32 $0x108;
	_ =	swait.ge @!p0 [sflag:s8], $0x0  }
0x24: {  	s3 =	sadd.s32 $0x88, s3;
	s6 =	simm.s32 @!p1 $0x1082;
	[sflag:s4] =	ssyncset.s32 $0xFFFFF086  }
0x25: {  	[simem:s6], [sflag:s4] =	dma.local [hbm:s3], $0xF7A  }
0x26: {  	[smem:$0x3F92] =	sst s1;
	(tag) =	ssettag s2;
	_ =	strace s9  }
0x27: {  	s1 =	sld [smem:$0x3FA2]  }
0x28: {  	s2 =	sld [smem:$0x3FA3]  }
0x29: {  	s4 =	sld [smem:$0x3FA5]  }
0x2a: {  	p0 =	seq.s32 s5, $0x0;
	s5 =	sld [smem:$0x3FA6]  }
0x2b: {  	s6 =	sld [smem:$0x3FA7]  }
0x2c: {  	s7 =	sld [smem:$0x3FA8]  }
0x2d: {  	s3 =	simm.s32 $0x108;
	s8 =	sld [smem:$0x3FA9]  }
0x2e: {  	s3 =	simm.s32 @!p0 $0x1082;
	s9 =	sld [smem:$0x3FAA]  }
0x2f: {  	lr =	sadd.s32 s0, s3;
	s0 =	sld [smem:$0x3FA1]  }
0x30: {  	s3 =	sld [smem:$0x3FA4]  }
0x31: {  	[smem:$0x3FAD] =	sst s10  }
0x32: {  	s10 =	sld [smem:$0x3FAB];
	_ =	sdelay $0x3  }
0x33: {  	p0 =	seq.s32 s10, $0x1;
	s10 =	sld [smem:$0x3FAD];
	_ =	sdelay $0x3  }
0x34: {  	[smem:$0x3FAD] =	sst s10  }
0x35: {  	s10 =	sld [smem:$0x3FAC];
	_ =	sdelay $0x3  }
0x36: {  	p1 =	seq.s32 s10, $0x1;
	s10 =	sld [smem:$0x3FAD];
	_ =	sdelay $0x3  }
0x37: {  	[smem:$0x3FAD] =	sst s10  }
0x38: {  	s10 =	sld [smem:$0x3FAE]  }
0x39: {  	_ = 	snop;
	(pc) =	sbr.ind lr, $3  }
0x3a: {  	_ = 	snop  }
0x3b: {  	_ = 	snop  }
0x3c: {  	p2 =	seq.s32 s10, $0x1;
	s10 =	sld [smem:$0x3FAD]  }
0x3d: {  	_ =	shalt  }
0x3e: {  	_ =	shalt  }
0x3f: {  	_ =	shalt  }
0x40: {  	_ =	shalt  }
0x41: {  	_ =	shalt  }
0x42: {  	_ =	shalt  }
0x43: {  	_ =	shalt  }
0x44: {  	_ =	shalt  }
0x45: {  	_ =	shalt  }
0x46: {  	_ =	shalt  }
0x47: {  	_ =	shalt  }
0x48: {  	_ =	shalt  }
0x49: {  	_ =	shalt  }
0x4a: {  	_ =	shalt  }
0x4b: {  	_ =	shalt  }
0x4c: {  	_ =	shalt  }
0x4d: {  	_ =	shalt  }
0x4e: {  	_ =	shalt  }
0x4f: {  	_ =	shalt  }
0x50: {  	_ =	shalt  }
0x51: {  	_ =	shalt  }
0x52: {  	_ =	shalt  }
0x53: {  	_ =	shalt  }
0x54: {  	_ =	shalt  }
0x55: {  	_ =	shalt  }
0x56: {  	_ =	shalt  }
0x57: {  	_ =	shalt  }
0x58: {  	_ =	shalt  }
0x59: {  	_ =	shalt  }
0x5a: {  	_ =	shalt  }
0x5b: {  	_ =	shalt  }
0x5c: {  	_ =	shalt  }
0x5d: {  	_ =	shalt  }
0x5e: {  	_ =	shalt  }
0x5f: {  	_ =	shalt  }
0x60: {  	_ =	shalt  }
0x61: {  	_ =	shalt  }
0x62: {  	_ =	shalt  }
0x63: {  	_ =	shalt  }
0x64: {  	_ =	shalt  }
0x65: {  	_ =	shalt  }
0x66: {  	_ =	shalt  }
0x67: {  	_ =	shalt  }
0x68: {  	_ =	shalt  }
0x69: {  	_ =	shalt  }
0x6a: {  	_ =	shalt  }
0x6b: {  	_ =	shalt  }
0x6c: {  	_ =	shalt  }
0x6d: {  	_ =	shalt  }
0x6e: {  	_ =	shalt  }
0x6f: {  	_ =	shalt  }
0x70: {  	_ =	shalt  }
0x71: {  	_ =	shalt  }
0x72: {  	_ =	shalt  }
0x73: {  	_ =	shalt  }
0x74: {  	_ =	shalt  }
0x75: {  	_ =	shalt  }
0x76: {  	_ =	shalt  }
0x77: {  	_ =	shalt  }
0x78: {  	_ =	shalt  }
0x79: {  	_ =	shalt  }
0x7a: {  	_ =	shalt  }
0x7b: {  	_ =	shalt  }
0x7c: {  	_ =	shalt  }
0x7d: {  	_ =	shalt  }
0x7e: {  	_ =	shalt  }
0x7f: {  	_ =	shalt  }
0x80: {  	_ =	shalt  }
0x81: {  	_ =	shalt  }
0x82: {  	_ =	shalt  }
0x83: {  	_ =	shalt  }
0x84: {  	_ =	shalt  }
0x85: {  	_ =	shalt  }
0x86: {  	_ =	shalt  }
0x87: {  	_ =	shalt  }
.Lfunc_end0:
.L_simem_size_0:
called_computation.1_lowered:
.L_overlay_start_0:
0x88: {  	s2 =	sld [smem:$0x3FD9]  }
0x89: {  	s3 =	sld [smem:$0x3FFE];
	_ =	sdelay $0x1  }
0x8a: {  	s1 =	srdreg.scid  }
0x8b: {  	s0 =	sand.u32 $0x1, s1  }
0x8c: {  	s14 =	sshll.u32 s0, $0xA;
	s2 =	sadd.s32 s3, s2  }
0x8d: {  	s2 =	sadd.s32 s2, s14  }
0x8e: {  	[smem:$0x3FB9] =	sst s2  }
0x8f: {  	_ = 	snop  }
0x90: {  	s2 =	sld [smem:$0x3FD0];
	_ =	sdelay $0x2  }
0x91: {  	s15 =	simm.s32 $0xA;
	s4 =	simm.s32 $0x10  }
0x92: {  	[smem:s4], [sflag:s15] =	dma.local [hbm:s2], $0x1  }
0x93: {  	_ =	swait.eq [sflag:s15], $0x1  }
0x94: {  	[sflag:s15] =	ssyncset.done $0x0  }
0x95: {  	[sflag:s15] =	ssyncadd.s32 $0xFFFFFFFF  }
0x96: {  	s16 =	sld [smem:$0x11];
	(tm) =	ssettm $0x1  }
0x97: {  	s17 =	sld [smem:$0x3FFB];
	_ =	sdelay $0x3  }
0x98: {  	_ =	strace s17  }
0x99: {  	s3 =	sld [smem:$0x3FFC];
	_ =	sdelay $0x3  }
0x9a: {  	_ =	strace s3  }
0x9b: {  	s3 =	sld [smem:$0x3FFD];
	_ =	sdelay $0x3  }
0x9c: {  	_ =	strace s3  }
0x9d: {  	_ =	strace $0x8FFFFFFF  }
0x9e: {  	s18 =	sld [smem:$0x3FDB];
	_ =	sdelay $0x1  }
0x9f: {  	s19 =	simm.s32 $_scs_section_size  }
0xa0: {  	s5 =	simm.s32 $_size__tile_overlayer_lowered;
	s6 =	simm.s32 $_tile_overlayer_lowered  }
0xa1: {  	s22 =	simm.s32 $0x1BFF;
	s21 =	sshll.u32 s6, $0x1;
	s3 =	sadd.s32 s19, s18  }
0xa2: {  	s7 =	simm.s32 $0x0;
	s20 =	sshll.u32 s5, $0x1;
	s5 =	sadd.s32 s21, s3  }
0xa3: {  	[timem:s7], [sflag:s22] =	dma.local [hbm:s5], s20  }
0xa4: {  	_ =	swait.ge [sflag:s22], s20  }
0xa5: {  	s4 =	ssub.s32 $0x0, s20;
	[sflag:s22] =	ssyncset.done $0x0  }
0xa6: {  	[sflag:s22] =	ssyncadd.s32 s4;
	_ =	sdelay $0x1  }
0xa7: {  	s23 =	simm.s32 $0x1B8B  }
0xa8: {  	_ =	swait.ge [sflag:s23], $0x1  }
0xa9: {  	[sflag:s23] =	ssyncset.done $0x0  }
0xaa: {  	s25 =	simm.s32 $0x1B8E;
	s24 =	sld [smem:$0x3FFE];
	[sflag:s23] =	ssyncadd.s32 $0xFFFFFFFF  }
0xab: {  	s26 =	simm.s32 $execute0_lowered;
	[smem:$0x3FD2] =	sst s25  }
0xac: {  	s5 =	sshll.u32 s26, $0x1;
	_ =	strace $0x80000049;
	[dreg:$0x1] =	wrdreg $0xFFFFFFFF  }
0xad: {  	s28 =	simm.s32 $_size_execute0_lowered;
	s3 =	sadd.s32 s3, s5;
	[dreg:$0x0] =	wrdreg $0x0  }
0xae: {  	s5 =	sshll.u32 s28, $0x1;
	[dreg:$0x2] =	wrdreg s3  }
0xaf: {  	[dreg:$0x3] =	wrdreg s5  }
0xb0: {  	[dreg:$0x4] =	wrdreg $0xC0  }
0xb1: {  	_ =	task [dreg:s7], $0x5FFFF  }
0xb2: {  	[dreg:$0x1] =	wrdreg $0xFFFFFFFF  }
0xb3: {  	[dreg:$0x0] =	wrdreg $0x60  }
0xb4: {  	[dreg:$0x2] =	wrdreg s16  }
0xb5: {  	[dreg:$0x3] =	wrdreg s24  }
0xb6: {  	[dreg:$0x4] =	wrdreg $0x91000  }
0xb7: {  	[dreg:$0x5] =	wrdreg $0x9  }
0xb8: {  	_ =	task.clear_ibuf [dreg:s7], $0x6FFFF;
	_ =	strace $0x90000049  }
0xb9: {  	s29 =	simm.s32 $0x9;
	_ =	strace $0x8000004B  }
0xba: {  	_ =	swait.ge [sflag:s29], $0x1  }
0xbb: {  	[sflag:s29] =	ssyncadd.s32 $0xFFFFFFFF  }
0xbc: {  	_ =	strace $0x9000004B  }
0xbd: {  	_ =	sfence  }
0xbe: {  	s30 =	sld [smem:$0x0];
	_ =	sdelay $0x2  }
0xbf: {  	s31 =	sshll.u32 s1, $0xD;
	s1 =	sshrl.u32 s1, $0x2  }
0xc0: {  	s3 =	sand.u32 $0x4000, s31;
	s1 =	sadd.s32 s1, s30  }
0xc1: {  	s0 =	sor.u32 s3, s0;
	s1 =	sshll.u32 s1, $0x11  }
0xc2: {  	s0 =	sor.u32 s1, s0  }
0xc3: {  	s0 =	sadd.s32 $0x8F2B, s0  }
0xc4: {  	[sflag:s0] =	ssyncadd.remote.s32 $0x1  }
0xc5: {  	_ =	sfence.sel $0xFFFF  }
0xc6: {  	[dreg:$0x0] =	wrdreg $0xFFFFFFFF;
	(pc) =	sbr.abs _section_cstart, $3  }
0xc7: {  	[dreg:$0x1] =	wrdreg $0xFFFFFFFF  }
0xc8: {  	_ =	task.clear_ibuf [dreg:s7], $0x2FFFF;
	_ =	strace $0x9FFFFFFF  }
0xc9: {  	(tm) =	ssettm $0x7FFFFFFF  }
tec
execute0_lowered:
.L_overlay_start_1:
0x0: {  	(tag) =	ssettag $0x1  }
0x1: {  	s1 =	rddreg [dreg:$0x0]  }
0x2: {  	s0 =	rddreg [dreg:$0x1]  }
0x3: {  	s2 =	rddreg [dreg:$0x2];
	s4 =	simm.s32 $0x0;
	s3 =	stileid.u32  }
0x4: {  	s6 =	srdreg.scid;
	s18 =	simm.s32 $0x4200;
	s19 =	simm.s32 $0x6980  }
0x5: {  	s28 =	simm.s32 $0x180;
	s29 =	simm.s32 $0x400;
	s30 =	simm.s32 $0x0  }
0x6: {  	[smem:$0x7FF] =	sst s4;
	s5 =	sadd.s32 $0x53A00, s0;
	s11 =	smul.u32 $0x13C00, s3  }
0x7: {  	s9 =	sand.u32 $0x1, s6;
	s6 =	sadd.s32 $0x4400, s0;
	s15 =	smul.u32 $0x4F000, s3  }
0x8: {  	s8 =	sshll.u32 s3, $0x1;
	s12 =	sshrl.u32 s3, $0x2;
	s7 =	smul.u32 $0x13C000, s9  }
0x9: {  	s24 =	sshll.u32 s3, $0x6;
	_ =	strace $0x8000004A;
	s12 =	smul.u32 $0x13C00, s12  }
0xa: {  	s8 =	sor.u32 s9, s8;
	s20 =	ssub.s32 $0x2, s9;
	s23 =	smul.u32 $0x9E00, s9  }
0xb: {  	s10 =	sshrl.u32 s11, $0x3;
	s13 =	sshll.u32 s8, $0x7;
	s21 =	sshrl.u32 s20, $0x1  }
0xc: {  	s8 =	smul.u32 $0x9E00, s8;
	s22 =	sshrl.u32 s15, $0x2;
	s7 =	sadd.s32 s11, s7  }
0xd: {  	s10 =	sadd.s32 s10, s0;
	s13 =	sand.u32 $0x380, s13;
	s16 =	ssub.s32 s20, s21  }
0xe: {  	s17 =	sadd.s32 s22, s2;
	s20 =	simm.s32 $0x40;
	s21 =	simm.s32 $0x100  }
0xf: {  	s22 =	simm.s32 $0x2200;
	s14 =	sshrl.u32 s7, $0x3;
	s7 =	sadd.s32 $0x53400, s0  }
0x10: {  	s12 =	sor.u32 s12, s13;
	s9 =	sadd.s32 $0x2BC00, s10;
	s10 =	sor.u32 $0x1C03, s24  }
0x11: {  	s25 =	sshrl.u32 s8, $0x3;
	s13 =	sadd.s32 s23, s11;
	s23 =	simm.s32 $0x1  }
0x12: {  	s24 =	simm.s32 $0x80;
	s14 =	sadd.s32 s14, s0;
	s12 =	sshrl.u32 s12, $0x3  }
0x13: {  	s11 =	sadd.s32 s6, s25;
	s26 =	sor.u32 $0x100, s13;
	s25 =	simm.s32 $0x200  }
0x14: {  	s0 =	sadd.s32 s12, s0;
	s12 =	sadd.s32 $0x54000, s14;
	s14 =	smax.u32 s16, $0x1  }
0x15: {  	s31 =	sshrl.u32 s26, $0x3;
	s16 =	sshrl.u32 s17, $0x3;
	s17 =	simm.s32 $0x3  }
0x16: {  	s26 =	simm.s32 $0x2;
	s13 =	sadd.s32 $0xA3000, s0;
	s15 =	sadd.s32 s31, s6  }
.LBB2_1:
0x17: {  	[spmem:s16], [sflag:s10] =	dma.local [hbm:s9], $0x2780  }
0x18: {  	_ =	swait.ge [sflag:s17], $0x2780  }
0x19: {  	[sflag:s17] =	ssyncset.done $0x0  }
0x1a: {  	[sflag:s17] =	ssyncadd.s32 $0xFFFFD880  }
0x1b: {  	[tilespmem:s18], [sflag:$0x3] =	stream.linear.gather [hbm4b:s7+s4], $0x2780, $0x38;
	[tilespmem:$0x1CD00] =	vst v63  }
0x1c: {  	_ =	swait.ge [sflag:s17], $0x2780  }
0x1d: {  	[sflag:s17] =	ssyncset.done $0x0  }
0x1e: {  	[sflag:s17] =	ssyncadd.s32 $0xFFFFD880  }
0x1f: {  	[tilespmem:s19], [sflag:$0x3] =	stream.linear.gather [hbm4b:s5+s4], $0x2780, $0x38;
	[tilespmem:$0x1CD00] =	vst v63  }
0x20: {  	_ =	swait.ge [sflag:s17], $0x2780  }
0x21: {  	[sflag:s17] =	ssyncset.done $0x0  }
0x22: {  	[sflag:s17] =	ssyncadd.s32 $0xFFFFD880  }
0x23: {  	[bflag:$0x0] =	sbarrier.arrive $0xFFFF  }
0x24: {  	[tilespmem:s4], [sflag:$0x3] =	stream.linear.gather [hbm4b:s11+s4], $0x100, $0x38;
	[tilespmem:$0x1CD00] =	vst v63  }
0x25: {  	_ =	swait.ge [sflag:s17], $0x100  }
0x26: {  	[sflag:s17] =	ssyncset.done $0x0  }
0x27: {  	s31 =	smov.u32 s15;
	s3 =	simm.s32 $0x200;
	[sflag:s17] =	ssyncadd.s32 $0xFFFFFF00  }
0x28: {  	[tilespmem:s25], [sflag:$0x1] =	stream.indirect.gather [hbm4b:s1+s20], $0x80, s4, s20, $0xb8;
	[tilespmem:$0x1CD00] =	vst v63  }
.LBB2_2:
0x29: {  	[tilespmem:s21], [sflag:$0x3] =	stream.linear.gather [hbm4b:s31+s4], $0x100, $0x38;
	[tilespmem:$0x1CD00] =	vst v63  }
0x2a: {  	_ =	swait.ge [sflag:s17], $0x100  }
0x2b: {  	[sflag:s17] =	ssyncset.done $0x0  }
0x2c: {  	[sflag:s17] =	ssyncadd.s32 $0xFFFFFF00  }
0x2d: {  	[tilespmem:s22], [sflag:$0x2] =	stream.indirect.gather [hbm4b:s1+s20], $0x80, s21, s20, $0xb8;
	[tilespmem:$0x1CD00] =	vst v63  }
0x2e: {  	v0 =	vld [tilespmem:$0x80];
	_ =	sdelay $0x4  }
0x2f: {  	v1 =	vld [tilespmem:$0x0];
	_ =	sdelay $0x2  }
0x30: {  	v0 =	vld.idx.msk [tilespmem:v0+s19+$0x0], $0xffff;
	_ =	sdelay $0x4  }
0x31: {  	[tilespmem:v1+s18+$0x0] =	vst.idx.add.f32.msk $0xffff, v0  }
0x32: {  	v0 =	vld [tilespmem:$0x90];
	_ =	sdelay $0x4  }
0x33: {  	v1 =	vld [tilespmem:$0x10];
	_ =	sdelay $0x2  }
0x34: {  	v0 =	vld.idx.msk [tilespmem:v0+s19+$0x0], $0xffff;
	_ =	sdelay $0x4  }
0x35: {  	[tilespmem:v1+s18+$0x0] =	vst.idx.add.f32.msk $0xffff, v0  }
0x36: {  	v0 =	vld [tilespmem:$0xA0];
	_ =	sdelay $0x4  }
0x37: {  	v1 =	vld [tilespmem:$0x20];
	_ =	sdelay $0x2  }
0x38: {  	v0 =	vld.idx.msk [tilespmem:v0+s19+$0x0], $0xffff;
	_ =	sdelay $0x4  }
0x39: {  	[tilespmem:v1+s18+$0x0] =	vst.idx.add.f32.msk $0xffff, v0  }
0x3a: {  	v0 =	vld [tilespmem:$0xB0];
	_ =	sdelay $0x4  }
0x3b: {  	v1 =	vld [tilespmem:$0x30];
	_ =	sdelay $0x2  }
0x3c: {  	v0 =	vld.idx.msk [tilespmem:v0+s19+$0x0], $0xffff;
	_ =	sdelay $0x4  }
0x3d: {  	[tilespmem:v1+s18+$0x0] =	vst.idx.add.f32.msk $0xffff, v0  }
0x3e: {  	_ =	swait.ge [sflag:s23], $0x2000  }
0x3f: {  	p0 =	seq.s32 s3, $0x9E00;
	s0 =	smov.u32 s3;
	[sflag:s23] =	ssyncset.done $0x0  }
0x40: {  	s0 =	simm.s32 @p0 $0x0;
	[sflag:s23] =	ssyncadd.s32 $0xFFFFE000  }
0x41: {  	[spmem:s2] =	stream.indirect.scatter.add.f32 [tilespmem:s25], [sflag:$0x3], $0x80, s24, s20, $0xb8;
	[tilespmem:$0x1CD00] =	vst v63  }
0x42: {  	s0 =	sadd.s32 s8, s0;
	_ =	swait.ge [sflag:s17], $0x2000  }
0x43: {  	s0 =	sshrl.u32 s0, $0x3;
	[sflag:s17] =	ssyncset.done $0x0  }
0x44: {  	s0 =	sadd.s32 s6, s0;
	[sflag:s17] =	ssyncadd.s32 $0xFFFFE000  }
0x45: {  	[tilespmem:s4], [sflag:$0x3] =	stream.linear.gather [hbm4b:s0+s4], $0x100, $0x38;
	[tilespmem:$0x1CD00] =	vst v63  }
0x46: {  	_ =	swait.ge [sflag:s17], $0x100  }
0x47: {  	[sflag:s17] =	ssyncset.done $0x0  }
0x48: {  	[sflag:s17] =	ssyncadd.s32 $0xFFFFFF00  }
0x49: {  	[tilespmem:s25], [sflag:$0x1] =	stream.indirect.gather [hbm4b:s1+s20], $0x80, s4, s20, $0xb8;
	[tilespmem:$0x1CD00] =	vst v63  }
0x4a: {  	v62 =	vld [tilespmem:$0x180];
	_ =	sdelay $0x4  }
0x4b: {  	v63 =	vld [tilespmem:$0x100];
	_ =	sdelay $0x2  }
0x4c: {  	v0 =	vld.idx.msk [tilespmem:v62+s19+$0x0], $0xffff;
	_ =	sdelay $0x4  }
0x4d: {  	[tilespmem:v63+s18+$0x0] =	vst.idx.add.f32.msk $0xffff, v0  }
0x4e: {  	v0 =	vld [tilespmem:$0x190];
	_ =	sdelay $0x4  }
0x4f: {  	v1 =	vld [tilespmem:$0x110];
	_ =	sdelay $0x2  }
0x50: {  	v0 =	vld.idx.msk [tilespmem:v0+s19+$0x0], $0xffff;
	_ =	sdelay $0x4  }
0x51: {  	[tilespmem:v1+s18+$0x0] =	vst.idx.add.f32.msk $0xffff, v0  }
0x52: {  	v0 =	vld [tilespmem:$0x1A0];
	_ =	sdelay $0x4  }
0x53: {  	v1 =	vld [tilespmem:$0x120];
	_ =	sdelay $0x2  }
0x54: {  	v0 =	vld.idx.msk [tilespmem:v0+s19+$0x0], $0xffff;
	_ =	sdelay $0x4  }
0x55: {  	[tilespmem:v1+s18+$0x0] =	vst.idx.add.f32.msk $0xffff, v0  }
0x56: {  	v0 =	vld [tilespmem:$0x1B0];
	_ =	sdelay $0x4  }
0x57: {  	v1 =	vld [tilespmem:$0x130];
	_ =	sdelay $0x2  }
0x58: {  	v0 =	vld.idx.msk [tilespmem:v0+s19+$0x0], $0xffff;
	_ =	sdelay $0x4  }
0x59: {  	[tilespmem:v1+s18+$0x0] =	vst.idx.add.f32.msk $0xffff, v0  }
0x5a: {  	_ =	swait.ge [sflag:s26], $0x2000  }
0x5b: {  	p0 =	sne.s32 s3, $0x9E00;
	[sflag:s26] =	ssyncset.done $0x0  }
.Ltmp0:
0x5c: {  	[sflag:s26] =	ssyncadd.s32 $0xFFFFE000;
	(pc) =	sbr.rel @p0 .LBB2_2-.Ltmp0, $4  }
0x5d: {  	[spmem:s2] =	stream.indirect.scatter.add.f32 [tilespmem:s22], [sflag:$0x3], $0x80, s28, s20, $0xb8;
	[tilespmem:$0x1CD00] =	vst v63  }
0x5e: {  	_ =	swait.ge [sflag:s17], $0x2000  }
0x5f: {  	[sflag:s17] =	ssyncset.done $0x0  }
0x60: {  	s31 =	sadd.s32 $0x40, s31;
	s3 =	sadd.s32 $0x200, s3;
	[sflag:s17] =	ssyncadd.s32 $0xFFFFE000  }
0x61: {  	_ =	swait.ge [sflag:s23], $0x2000  }
0x62: {  	[sflag:s23] =	ssyncset.done $0x0  }
0x63: {  	[sflag:s23] =	ssyncadd.s32 $0xFFFFE000  }
0x64: {  	[bflag:$0x0] =	sbarrier.arrive $0xFFFF  }
0x65: {  	[hbm:s12], [sflag:s10] =	dma.local [spmem:s16], $0x2780  }
0x66: {  	s30 =	sadd.s32 $0x1, s30;
	_ =	swait.ge [sflag:s17], $0x2780  }
0x67: {  	p0 =	sne.s32 s30, s14;
	[sflag:s17] =	ssyncset.done $0x0  }
.Ltmp1:
0x68: {  	[sflag:s17] =	ssyncadd.s32 $0xFFFFD880;
	(pc) =	sbr.rel @p0 .LBB2_1-.Ltmp1, $4  }
0x69: {  	[hbm4b:s13+s24] =	stream.strided.scatter [tilespmem:s18], [sflag:$0x3], $0x2780, s29, s24, $0x38;
	[tilespmem:$0x1CD00] =	vst v63  }
0x6a: {  	_ =	swait.ge [sflag:s17], $0x2780  }
0x6b: {  	[sflag:s17] =	ssyncset.done $0x0  }
0x6c: {  	[sflag:s17] =	ssyncadd.s32 $0xFFFFD880  }
0x6d: {  	_ =	sfence.sel $0x180000  }
0x6e: {  	[bflag:$0x0] =	sbarrier.arrive $0xFFFF  }
0x6f: {  	_ =	strace $0x9000004A  }
0x70: {  	s0 =	stileid.u32;
	[bflag:$0x2] =	sbarrier.arrive $0xFFFF  }
0x71: {  	p0 =	sne.s32 s0, $0x0;
	s0 =	rddreg [dreg:$0x3]  }
0x72: {  	s0 =	sadd.s32 @!p0 $0x100000, s0  }
0x73: {  	[sflag:s0] =	ssyncadd.tile.s32 @!p0 $0x1;
	_ =	shalt  }
.Lfunc_end2:
_tile_overlayer_lowered:
.L_overlay_start_2:
0x74: {  	(tag) =	ssettag $0x2  }
0x75: {  	s0 =	rddreg [dreg:$0x0];
	s2 =	stileid.u32  }
0x76: {  	s1 =	rddreg [dreg:$0x1];
	p0 =	sne.s32 s2, $0x0  }
0x77: {  	s3 =	rddreg [dreg:$0x2];
	[bflag:$0x3] =	sbarrier.arrive $0xFFFF;
	s2 =	simm.s32 @!p0 $0x1C03  }
0x78: {  	[timem:s3], [sflag:s2] =	dma.local @!p0 [hbm:s0], s1  }
0x79: {  	s0 =	simm.s32 @!p0 $0x3  }
0x7a: {  	_ =	swait.ge @!p0 [sflag:s0], s1  }
0x7b: {  	s1 =	ssub.s32 @!p0 $0x0, s1;
	[sflag:s0] =	ssyncset.done @!p0 $0x0  }
0x7c: {  	[sflag:s0] =	ssyncadd.s32 @!p0 s1  }
0x7d: {  	[bflag:$0x3] =	sbarrier.arrive $0xFFFF  }
0x7e: {  	_ =	shalt  }

// kernel: kernel.7.cloned.1.call-start
scs
__scs_entry_jumppad:
0x0: {  	(pc) =	sbr.rel $0x88, $3  }
0x1: {  	(tag) =	ssettag $0x0;
	lr =	simm.s32 $0x1  }
0x2: {  	[smem:$0x3F92] =	sst lr;
	_ =	strace $0xD0000000  }
0x3: {  	_ = 	snop  }
0x4: {  	_ = 	snop  }
0x5: {  	_ = 	snop  }
0x6: {  	_ = 	snop  }
0x7: {  	_ = 	snop  }
__scs_overlays_trampoline_lowered:
0x8: {  	[smem:$0x3FA1] =	sst s0  }
0x9: {  	[smem:$0x3FA2] =	sst s1  }
0xa: {  	[smem:$0x3FA3] =	sst s2  }
0xb: {  	[smem:$0x3FA4] =	sst s3  }
0xc: {  	[smem:$0x3FA5] =	sst s4  }
0xd: {  	[smem:$0x3FA6] =	sst s5  }
0xe: {  	[smem:$0x3FA7] =	sst s6  }
0xf: {  	[smem:$0x3FA8] =	sst s7  }
0x10: {  	[smem:$0x3FA9] =	sst s8  }
0x11: {  	[smem:$0x3FAA] =	sst s9;
	s0 =	simm.s32 @!p0 $0x0  }
0x12: {  	s1 =	sld [smem:$0x3F90];
	s0 =	simm.s32 @p0 $0x1  }
0x13: {  	[smem:$0x3FAB] =	sst s0;
	s0 =	simm.s32 @!p1 $0x0  }
0x14: {  	s2 =	sld [smem:$0x3F8F];
	s0 =	simm.s32 @p1 $0x1  }
0x15: {  	[smem:$0x3FAC] =	sst s0;
	s0 =	simm.s32 @!p2 $0x0  }
0x16: {  	s3 =	sld [smem:$0x3FDB];
	s0 =	simm.s32 @p2 $0x1  }
0x17: {  	s4 =	simm.s32 $0x1BF5;
	[smem:$0x3FAE] =	sst s0  }
0x18: {  	s0 =	sld [smem:$0x3F91];
	_ =	swait.ge [sflag:s4], $0x0  }
0x19: {  	s7 =	sld [smem:$0x3F92]  }
0x1a: {  	s8 =	sadd.s32 $0xFFFFE003, lr  }
0x1b: {  	s9 =	sadd.s32 $0xFFFFFEF7, lr;
	s5 =	simm.s32 $0xFFFFFFFF;
	p2 =	slt.u32 s8, $0xFFFFF086  }
0x1c: {  	p1 =	slt.u32 s9, $0xF7A;
	s5 =	simm.s32 @!p2 $0x0  }
0x1d: {  	s5 =	simm.s32 @p1 $0x1;
	p0 =	seq.s32 s7, s2  }
0x1e: {  	s7 =	smul.u32 @!p0 $0xF7A, s2;
	p2 =	seq.s32 @!p0 s5, $0x0  }
0x1f: {  	s9 =	smul.u32 $0xF7A, s1;
	s8 =	simm.s32 @!p0 $0x1BF5;
	p2 =	por !p2, p0  }
0x20: {  	[sflag:s8] =	ssyncset.s32 @!p0 $0xFFFFF086;
	s6 =	sadd.s32 @!p0 s3, s7;
	s7 =	simm.s32 @!p0 $0x108  }
0x21: {  	s3 =	sadd.s32 s3, s9;
	s6 =	sadd.s32 @!p0 $0x88, s6;
	s7 =	simm.s32 @p2 $0x1082  }
0x22: {  	[simem:s7], [sflag:s8] =	dma.local @!p0 [hbm:s6], $0xF7A  }
0x23: {  	s9 =	sor.u32 $0xD0000000, s2;
	s6 =	simm.s32 $0x108;
	_ =	swait.ge @!p0 [sflag:s8], $0x0  }
0x24: {  	s3 =	sadd.s32 $0x88, s3;
	s6 =	simm.s32 @!p1 $0x1082;
	[sflag:s4] =	ssyncset.s32 $0xFFFFF086  }
0x25: {  	[simem:s6], [sflag:s4] =	dma.local [hbm:s3], $0xF7A  }
0x26: {  	[smem:$0x3F92] =	sst s1;
	(tag) =	ssettag s2;
	_ =	strace s9  }
0x27: {  	s1 =	sld [smem:$0x3FA2]  }
0x28: {  	s2 =	sld [smem:$0x3FA3]  }
0x29: {  	s4 =	sld [smem:$0x3FA5]  }
0x2a: {  	p0 =	seq.s32 s5, $0x0;
	s5 =	sld [smem:$0x3FA6]  }
0x2b: {  	s6 =	sld [smem:$0x3FA7]  }
0x2c: {  	s7 =	sld [smem:$0x3FA8]  }
0x2d: {  	s3 =	simm.s32 $0x108;
	s8 =	sld [smem:$0x3FA9]  }
0x2e: {  	s3 =	simm.s32 @!p0 $0x1082;
	s9 =	sld [smem:$0x3FAA]  }
0x2f: {  	lr =	sadd.s32 s0, s3;
	s0 =	sld [smem:$0x3FA1]  }
0x30: {  	s3 =	sld [smem:$0x3FA4]  }
0x31: {  	[smem:$0x3FAD] =	sst s10  }
0x32: {  	s10 =	sld [smem:$0x3FAB];
	_ =	sdelay $0x3  }
0x33: {  	p0 =	seq.s32 s10, $0x1;
	s10 =	sld [smem:$0x3FAD];
	_ =	sdelay $0x3  }
0x34: {  	[smem:$0x3FAD] =	sst s10  }
0x35: {  	s10 =	sld [smem:$0x3FAC];
	_ =	sdelay $0x3  }
0x36: {  	p1 =	seq.s32 s10, $0x1;
	s10 =	sld [smem:$0x3FAD];
	_ =	sdelay $0x3  }
0x37: {  	[smem:$0x3FAD] =	sst s10  }
0x38: {  	s10 =	sld [smem:$0x3FAE]  }
0x39: {  	_ = 	snop;
	(pc) =	sbr.ind lr, $3  }
0x3a: {  	_ = 	snop  }
0x3b: {  	_ = 	snop  }
0x3c: {  	p2 =	seq.s32 s10, $0x1;
	s10 =	sld [smem:$0x3FAD]  }
0x3d: {  	_ =	shalt  }
0x3e: {  	_ =	shalt  }
0x3f: {  	_ =	shalt  }
0x40: {  	_ =	shalt  }
0x41: {  	_ =	shalt  }
0x42: {  	_ =	shalt  }
0x43: {  	_ =	shalt  }
0x44: {  	_ =	shalt  }
0x45: {  	_ =	shalt  }
0x46: {  	_ =	shalt  }
0x47: {  	_ =	shalt  }
0x48: {  	_ =	shalt  }
0x49: {  	_ =	shalt  }
0x4a: {  	_ =	shalt  }
0x4b: {  	_ =	shalt  }
0x4c: {  	_ =	shalt  }
0x4d: {  	_ =	shalt  }
0x4e: {  	_ =	shalt  }
0x4f: {  	_ =	shalt  }
0x50: {  	_ =	shalt  }
0x51: {  	_ =	shalt  }
0x52: {  	_ =	shalt  }
0x53: {  	_ =	shalt  }
0x54: {  	_ =	shalt  }
0x55: {  	_ =	shalt  }
0x56: {  	_ =	shalt  }
0x57: {  	_ =	shalt  }
0x58: {  	_ =	shalt  }
0x59: {  	_ =	shalt  }
0x5a: {  	_ =	shalt  }
0x5b: {  	_ =	shalt  }
0x5c: {  	_ =	shalt  }
0x5d: {  	_ =	shalt  }
0x5e: {  	_ =	shalt  }
0x5f: {  	_ =	shalt  }
0x60: {  	_ =	shalt  }
0x61: {  	_ =	shalt  }
0x62: {  	_ =	shalt  }
0x63: {  	_ =	shalt  }
0x64: {  	_ =	shalt  }
0x65: {  	_ =	shalt  }
0x66: {  	_ =	shalt  }
0x67: {  	_ =	shalt  }
0x68: {  	_ =	shalt  }
0x69: {  	_ =	shalt  }
0x6a: {  	_ =	shalt  }
0x6b: {  	_ =	shalt  }
0x6c: {  	_ =	shalt  }
0x6d: {  	_ =	shalt  }
0x6e: {  	_ =	shalt  }
0x6f: {  	_ =	shalt  }
0x70: {  	_ =	shalt  }
0x71: {  	_ =	shalt  }
0x72: {  	_ =	shalt  }
0x73: {  	_ =	shalt  }
0x74: {  	_ =	shalt  }
0x75: {  	_ =	shalt  }
0x76: {  	_ =	shalt  }
0x77: {  	_ =	shalt  }
0x78: {  	_ =	shalt  }
0x79: {  	_ =	shalt  }
0x7a: {  	_ =	shalt  }
0x7b: {  	_ =	shalt  }
0x7c: {  	_ =	shalt  }
0x7d: {  	_ =	shalt  }
0x7e: {  	_ =	shalt  }
0x7f: {  	_ =	shalt  }
0x80: {  	_ =	shalt  }
0x81: {  	_ =	shalt  }
0x82: {  	_ =	shalt  }
0x83: {  	_ =	shalt  }
0x84: {  	_ =	shalt  }
0x85: {  	_ =	shalt  }
0x86: {  	_ =	shalt  }
0x87: {  	_ =	shalt  }
.Lfunc_end0:
.L_simem_size_0:
called_computation_lowered:
.L_overlay_start_0:
0x88: {  	s2 =	sld [smem:$0x3FD9]  }
0x89: {  	s3 =	sld [smem:$0x3FFE];
	_ =	sdelay $0x1  }
0x8a: {  	s1 =	srdreg.scid  }
0x8b: {  	s0 =	sand.u32 $0x1, s1  }
0x8c: {  	s14 =	sshll.u32 s0, $0xA;
	s2 =	sadd.s32 s3, s2  }
0x8d: {  	s2 =	sadd.s32 s2, s14  }
0x8e: {  	[smem:$0x3FB9] =	sst s2  }
0x8f: {  	_ = 	snop  }
0x90: {  	s2 =	sld [smem:$0x3FD0];
	_ =	sdelay $0x2  }
0x91: {  	s4 =	simm.s32 $0xA;
	s5 =	simm.s32 $0x10;
	s15 =	sld [smem:$0x3FC8]  }
0x92: {  	[smem:s5], [sflag:s4] =	dma.local [hbm:s2], $0x1  }
0x93: {  	_ =	swait.eq [sflag:s4], $0x1  }
0x94: {  	[sflag:s4] =	ssyncset.done $0x0  }
0x95: {  	[sflag:s4] =	ssyncadd.s32 $0xFFFFFFFF  }
0x96: {  	s16 =	sld [smem:$0x12];
	(tm) =	ssettm $0x1  }
0x97: {  	s17 =	sld [smem:$0x3FFB];
	_ =	sdelay $0x3  }
0x98: {  	_ =	strace s17  }
0x99: {  	s4 =	sld [smem:$0x3FFC];
	_ =	sdelay $0x3  }
0x9a: {  	_ =	strace s4  }
0x9b: {  	s4 =	sld [smem:$0x3FFD];
	_ =	sdelay $0x3  }
0x9c: {  	_ =	strace s4  }
0x9d: {  	_ =	strace $0x8FFFFFFF  }
0x9e: {  	s18 =	sld [smem:$0x3FDB];
	_ =	sdelay $0x1  }
0x9f: {  	s19 =	simm.s32 $_scs_section_size  }
0xa0: {  	s6 =	simm.s32 $_size__tile_overlayer_lowered;
	s7 =	simm.s32 $_tile_overlayer_lowered  }
0xa1: {  	s22 =	simm.s32 $0x1BFF;
	s21 =	sshll.u32 s7, $0x1;
	s4 =	sadd.s32 s19, s18  }
0xa2: {  	s8 =	simm.s32 $0x0;
	s20 =	sshll.u32 s6, $0x1;
	s6 =	sadd.s32 s21, s4  }
0xa3: {  	[timem:s8], [sflag:s22] =	dma.local [hbm:s6], s20  }
0xa4: {  	_ =	swait.ge [sflag:s22], s20  }
0xa5: {  	s5 =	ssub.s32 $0x0, s20;
	[sflag:s22] =	ssyncset.done $0x0  }
0xa6: {  	[sflag:s22] =	ssyncadd.s32 s5;
	_ =	sdelay $0x1  }
0xa7: {  	s23 =	simm.s32 $0x1B8B  }
0xa8: {  	_ =	swait.ge [sflag:s23], $0x1  }
0xa9: {  	[sflag:s23] =	ssyncset.done $0x0  }
0xaa: {  	s25 =	simm.s32 $0x1B8E;
	s24 =	sld [smem:$0x3FFE];
	[sflag:s23] =	ssyncadd.s32 $0xFFFFFFFF  }
0xab: {  	s26 =	simm.s32 $execute0_lowered;
	[smem:$0x3FD2] =	sst s25  }
0xac: {  	s6 =	sshll.u32 s26, $0x1;
	_ =	strace $0x80000046;
	[dreg:$0x1] =	wrdreg $0xFFFFFFFF  }
0xad: {  	s28 =	simm.s32 $_size_execute0_lowered;
	s4 =	sadd.s32 s4, s6;
	[dreg:$0x0] =	wrdreg $0x0  }
0xae: {  	s6 =	sshll.u32 s28, $0x1;
	[dreg:$0x2] =	wrdreg s4  }
0xaf: {  	[dreg:$0x3] =	wrdreg s6  }
0xb0: {  	[dreg:$0x4] =	wrdreg $0xC0  }
0xb1: {  	_ =	task [dreg:s8], $0x5FFFF  }
0xb2: {  	[dreg:$0x1] =	wrdreg $0xFFFFFFFF  }
0xb3: {  	[dreg:$0x0] =	wrdreg $0x60  }
0xb4: {  	[dreg:$0x2] =	wrdreg s15  }
0xb5: {  	[dreg:$0x3] =	wrdreg s24  }
0xb6: {  	[dreg:$0x4] =	wrdreg s16  }
0xb7: {  	[dreg:$0x5] =	wrdreg $0x69800  }
0xb8: {  	[dreg:$0x6] =	wrdreg $0x9  }
0xb9: {  	_ =	task.clear_ibuf [dreg:s8], $0x7FFFF;
	_ =	strace $0x90000046  }
0xba: {  	s29 =	simm.s32 $0x9;
	_ =	strace $0x80000048  }
0xbb: {  	_ =	swait.ge [sflag:s29], $0x1  }
0xbc: {  	[sflag:s29] =	ssyncadd.s32 $0xFFFFFFFF  }
0xbd: {  	_ =	strace $0x90000048  }
0xbe: {  	_ =	sfence  }
0xbf: {  	s30 =	sld [smem:$0x0];
	_ =	sdelay $0x2  }
0xc0: {  	s31 =	sshll.u32 s1, $0xD;
	s1 =	sshrl.u32 s1, $0x2  }
0xc1: {  	s3 =	sand.u32 $0x4000, s31;
	s1 =	sadd.s32 s1, s30  }
0xc2: {  	s0 =	sor.u32 s3, s0;
	s1 =	sshll.u32 s1, $0x11  }
0xc3: {  	s0 =	sor.u32 s1, s0  }
0xc4: {  	s0 =	sadd.s32 $0x8F2B, s0  }
0xc5: {  	[sflag:s0] =	ssyncadd.remote.s32 $0x1  }
0xc6: {  	_ =	sfence.sel $0xFFFF  }
0xc7: {  	[dreg:$0x0] =	wrdreg $0xFFFFFFFF;
	(pc) =	sbr.abs _section_cstart, $3  }
0xc8: {  	[dreg:$0x1] =	wrdreg $0xFFFFFFFF  }
0xc9: {  	_ =	task.clear_ibuf [dreg:s8], $0x2FFFF;
	_ =	strace $0x9FFFFFFF  }
0xca: {  	(tm) =	ssettm $0x7FFFFFFF  }
0xcb: {  	_ =	shalt  }
tec
execute0_lowered:
.L_overlay_start_1:
0x0: {  	(tag) =	ssettag $0x1  }
0x1: {  	s1 =	rddreg [dreg:$0x0]  }
0x2: {  	s7 =	rddreg [dreg:$0x1]  }
0x3: {  	s11 =	rddreg [dreg:$0x2]  }
0x4: {  	s3 =	rddreg [dreg:$0x3];
	s2 =	stileid.u32  }
0x5: {  	s5 =	srdreg.scid;
	s4 =	simm.s32 $0x0;
	s19 =	simm.s32 $0x40  }
0x6: {  	s20 =	simm.s32 $0x200;
	s28 =	simm.s32 $0x400;
	s29 =	simm.s32 $0x0  }
0x7: {  	s10 =	smul.u32 $0x13C00, s2;
	s8 =	sand.u32 $0x1, s5;
	[smem:$0x7FF] =	sst s4  }
0x8: {  	s5 =	sadd.s32 $0x4400, s7;
	s14 =	smul.u32 $0x4F000, s2;
	s22 =	sshll.u32 s2, $0x1  }
0x9: {  	s17 =	sshrl.u32 s2, $0x2;
	s26 =	sshll.u32 s2, $0x6;
	s9 =	smul.u32 $0x13C000, s8  }
0xa: {  	_ =	strace $0x80000047;
	s13 =	ssub.s32 $0x2, s8;
	s25 =	smul.u32 $0x13C00, s17  }
0xb: {  	s18 =	smul.u32 $0x9E00, s8;
	s17 =	simm.s32 $0x3;
	s6 =	sshrl.u32 s10, $0x3  }
0xc: {  	s21 =	sshrl.u32 s13, $0x1;
	s23 =	sshrl.u32 s14, $0x2;
	s12 =	sadd.s32 s6, s7  }
0xd: {  	s6 =	sadd.s32 $0x53400, s7;
	s9 =	sadd.s32 s10, s9;
	s13 =	ssub.s32 s13, s21  }
0xe: {  	s16 =	sadd.s32 s23, s3;
	s30 =	sadd.s32 s18, s10;
	s18 =	simm.s32 $0x4200  }
0xf: {  	s21 =	simm.s32 $0x100;
	s23 =	simm.s32 $0x1;
	s9 =	sshrl.u32 s9, $0x3  }
0x10: {  	s31 =	sor.u32 $0x100, s30;
	s16 =	sshrl.u32 s16, $0x3;
	s15 =	sadd.s32 s9, s7  }
0x11: {  	s9 =	sor.u32 s8, s22;
	s7 =	sadd.s32 $0x2BC00, s12;
	s8 =	sor.u32 $0x1C03, s26  }
0x12: {  	s22 =	simm.s32 $0x2200;
	s26 =	simm.s32 $0x180;
	s24 =	smul.u32 $0x9E00, s9  }
0x13: {  	s9 =	sshll.u32 s9, $0x7;
	s10 =	sadd.s32 $0x53A00, s15;
	s15 =	sshrl.u32 s31, $0x3  }
0x14: {  	s9 =	sand.u32 $0x380, s9;
	s15 =	sadd.s32 s15, s5;
	s14 =	sshrl.u32 s24, $0x3  }
0x15: {  	s12 =	sor.u32 s25, s9;
	s24 =	simm.s32 $0x80;
	s25 =	simm.s32 $0x2  }
0x16: {  	s9 =	sadd.s32 s5, s14;
	s12 =	sshrl.u32 s12, $0x3;
	s14 =	sadd.s32 $0x200, s30  }
0x17: {  	v0 =	vimm.f32 $1.000000000e+00;
	s11 =	sadd.s32 s11, s12;
	s12 =	smax.u32 s13, $0x1;
	s13 =	sadd.s32 $0x13A0, s9  }
.LBB2_1:
0x18: {  	[spmem:s16], [sflag:s8] =	dma.local [hbm:s7], $0x2780  }
0x19: {  	_ =	swait.ge [sflag:s17], $0x2780  }
0x1a: {  	[sflag:s17] =	ssyncset.done $0x0  }
0x1b: {  	[sflag:s17] =	ssyncadd.s32 $0xFFFFD880  }
0x1c: {  	[tilespmem:s18], [sflag:$0x3] =	stream.linear.gather [hbm4b:s6+s4], $0x2780, $0x38;
	[tilespmem:$0x1A580] =	vst v63  }
0x1d: {  	_ =	swait.ge [sflag:s17], $0x2780  }
0x1e: {  	[sflag:s17] =	ssyncset.done $0x0  }
0x1f: {  	[sflag:s17] =	ssyncadd.s32 $0xFFFFD880  }
0x20: {  	[bflag:$0x0] =	sbarrier.arrive $0xFFFF  }
0x21: {  	[tilespmem:s4], [sflag:$0x3] =	stream.linear.gather [hbm4b:s9+s4], $0x100, $0x38;
	[tilespmem:$0x1A580] =	vst v63  }
0x22: {  	_ =	swait.ge [sflag:s17], $0x100  }
0x23: {  	[sflag:s17] =	ssyncset.done $0x0  }
0x24: {  	s30 =	smov.u32 s14;
	s31 =	simm.s32 $0x0;
	[sflag:s17] =	ssyncadd.s32 $0xFFFFFF00  }
0x25: {  	[tilespmem:s20], [sflag:$0x1] =	stream.indirect.gather [hbm4b:s1+s19], $0x80, s4, s19, $0xb8;
	[tilespmem:$0x1A580] =	vst v63  }
.LBB2_2:
0x26: {  	s0 =	sadd.s32 s31, s15  }
0x27: {  	[tilespmem:s21], [sflag:$0x3] =	stream.linear.gather [hbm4b:s0+s4], $0x100, $0x38;
	[tilespmem:$0x1A580] =	vst v63  }
0x28: {  	_ =	swait.ge [sflag:s17], $0x100  }
0x29: {  	[sflag:s17] =	ssyncset.done $0x0  }
0x2a: {  	[sflag:s17] =	ssyncadd.s32 $0xFFFFFF00  }
0x2b: {  	[tilespmem:s22], [sflag:$0x2] =	stream.indirect.gather [hbm4b:s1+s19], $0x80, s21, s19, $0xb8;
	[tilespmem:$0x1A580] =	vst v63  }
0x2c: {  	v1 =	vld [tilespmem:$0x80];
	_ =	sdelay $0x7  }
0x2d: {  	[tilespmem:v1+s18+$0x0] =	vst.idx.add.f32.msk $0xffff, v0  }
0x2e: {  	v1 =	vld [tilespmem:$0x90];
	_ =	sdelay $0x7  }
0x2f: {  	[tilespmem:v1+s18+$0x0] =	vst.idx.add.f32.msk $0xffff, v0  }
0x30: {  	v1 =	vld [tilespmem:$0xA0];
	_ =	sdelay $0x7  }
0x31: {  	[tilespmem:v1+s18+$0x0] =	vst.idx.add.f32.msk $0xffff, v0  }
0x32: {  	v1 =	vld [tilespmem:$0xB0];
	_ =	sdelay $0x7  }
0x33: {  	[tilespmem:v1+s18+$0x0] =	vst.idx.add.f32.msk $0xffff, v0  }
0x34: {  	_ =	swait.ge [sflag:s23], $0x2000  }
0x35: {  	[sflag:s23] =	ssyncset.done $0x0  }
0x36: {  	[sflag:s23] =	ssyncadd.s32 $0xFFFFE000  }
0x37: {  	[spmem:s3] =	stream.indirect.scatter.add.f32 [tilespmem:s20], [sflag:$0x3], $0x80, s24, s19, $0xb8;
	[tilespmem:$0x1A580] =	vst v63  }
0x38: {  	_ =	swait.ge [sflag:s17], $0x2000  }
0x39: {  	s0 =	sshrl.u32 s30, $0x3;
	[sflag:s17] =	ssyncset.done $0x0  }
0x3a: {  	s0 =	sadd.s32 s5, s0;
	[sflag:s17] =	ssyncadd.s32 $0xFFFFE000  }
0x3b: {  	[tilespmem:s4], [sflag:$0x3] =	stream.linear.gather [hbm4b:s0+s4], $0x100, $0x38;
	[tilespmem:$0x1A580] =	vst v63  }
0x3c: {  	_ =	swait.ge [sflag:s17], $0x100  }
0x3d: {  	[sflag:s17] =	ssyncset.done $0x0  }
0x3e: {  	[sflag:s17] =	ssyncadd.s32 $0xFFFFFF00  }
0x3f: {  	[tilespmem:s20], [sflag:$0x1] =	stream.indirect.gather [hbm4b:s1+s19], $0x80, s4, s19, $0xb8;
	[tilespmem:$0x1A580] =	vst v63  }
0x40: {  	v1 =	vld [tilespmem:$0x180];
	_ =	sdelay $0x7  }
0x41: {  	[tilespmem:v1+s18+$0x0] =	vst.idx.add.f32.msk $0xffff, v0  }
0x42: {  	v1 =	vld [tilespmem:$0x190];
	_ =	sdelay $0x7  }
0x43: {  	[tilespmem:v1+s18+$0x0] =	vst.idx.add.f32.msk $0xffff, v0  }
0x44: {  	v1 =	vld [tilespmem:$0x1A0];
	_ =	sdelay $0x7  }
0x45: {  	[tilespmem:v1+s18+$0x0] =	vst.idx.add.f32.msk $0xffff, v0  }
0x46: {  	v1 =	vld [tilespmem:$0x1B0];
	_ =	sdelay $0x7  }
0x47: {  	[tilespmem:v1+s18+$0x0] =	vst.idx.add.f32.msk $0xffff, v0  }
0x48: {  	_ =	swait.ge [sflag:s25], $0x2000  }
0x49: {  	p0 =	sne.s32 s31, $0x1340;
	[sflag:s25] =	ssyncset.done $0x0  }
.Ltmp0:
0x4a: {  	[sflag:s25] =	ssyncadd.s32 $0xFFFFE000;
	(pc) =	sbr.rel @p0 .LBB2_2-.Ltmp0, $4  }
0x4b: {  	[spmem:s3] =	stream.indirect.scatter.add.f32 [tilespmem:s22], [sflag:$0x3], $0x80, s26, s19, $0xb8;
	[tilespmem:$0x1A580] =	vst v63  }
0x4c: {  	_ =	swait.ge [sflag:s17], $0x2000  }
0x4d: {  	[sflag:s17] =	ssyncset.done $0x0  }
0x4e: {  	s31 =	sadd.s32 $0x40, s31;
	s30 =	sadd.s32 $0x200, s30;
	[sflag:s17] =	ssyncadd.s32 $0xFFFFE000  }
0x4f: {  	[tilespmem:s21], [sflag:$0x3] =	stream.linear.gather [hbm4b:s13+s4], $0x100, $0x38;
	[tilespmem:$0x1A580] =	vst v63  }
0x50: {  	_ =	swait.ge [sflag:s17], $0x100  }
0x51: {  	[sflag:s17] =	ssyncset.done $0x0  }
0x52: {  	[sflag:s17] =	ssyncadd.s32 $0xFFFFFF00  }
0x53: {  	[tilespmem:s22], [sflag:$0x2] =	stream.indirect.gather [hbm4b:s1+s19], $0x80, s21, s19, $0xb8;
	[tilespmem:$0x1A580] =	vst v63  }
0x54: {  	v1 =	vld [tilespmem:$0x80];
	_ =	sdelay $0x7  }
0x55: {  	[tilespmem:v1+s18+$0x0] =	vst.idx.add.f32.msk $0xffff, v0  }
0x56: {  	v1 =	vld [tilespmem:$0x90];
	_ =	sdelay $0x7  }
0x57: {  	[tilespmem:v1+s18+$0x0] =	vst.idx.add.f32.msk $0xffff, v0  }
0x58: {  	v1 =	vld [tilespmem:$0xA0];
	_ =	sdelay $0x7  }
0x59: {  	[tilespmem:v1+s18+$0x0] =	vst.idx.add.f32.msk $0xffff, v0  }
0x5a: {  	v1 =	vld [tilespmem:$0xB0];
	_ =	sdelay $0x7  }
0x5b: {  	[tilespmem:v1+s18+$0x0] =	vst.idx.add.f32.msk $0xffff, v0  }
0x5c: {  	_ =	swait.ge [sflag:s23], $0x2000  }
0x5d: {  	[sflag:s23] =	ssyncset.done $0x0  }
0x5e: {  	[sflag:s23] =	ssyncadd.s32 $0xFFFFE000  }
0x5f: {  	[spmem:s3] =	stream.indirect.scatter.add.f32 [tilespmem:s20], [sflag:$0x3], $0x80, s24, s19, $0xb8;
	[tilespmem:$0x1A580] =	vst v63  }
0x60: {  	_ =	swait.ge [sflag:s17], $0x2000  }
0x61: {  	[sflag:s17] =	ssyncset.done $0x0  }
0x62: {  	[sflag:s17] =	ssyncadd.s32 $0xFFFFE000  }
0x63: {  	[tilespmem:s4], [sflag:$0x3] =	stream.linear.gather [hbm4b:s9+s4], $0x100, $0x38;
	[tilespmem:$0x1A580] =	vst v63  }
0x64: {  	_ =	swait.ge [sflag:s17], $0x100  }
0x65: {  	[sflag:s17] =	ssyncset.done $0x0  }
0x66: {  	[sflag:s17] =	ssyncadd.s32 $0xFFFFFF00  }
0x67: {  	[tilespmem:s20], [sflag:$0x1] =	stream.indirect.gather [hbm4b:s1+s19], $0x80, s4, s19, $0xb8;
	[tilespmem:$0x1A580] =	vst v63  }
0x68: {  	v1 =	vld [tilespmem:$0x180];
	_ =	sdelay $0x7  }
0x69: {  	[tilespmem:v1+s18+$0x0] =	vst.idx.add.f32.msk $0xffff, v0  }
0x6a: {  	v1 =	vld [tilespmem:$0x190];
	_ =	sdelay $0x7  }
0x6b: {  	[tilespmem:v1+s18+$0x0] =	vst.idx.add.f32.msk $0xffff, v0  }
0x6c: {  	v1 =	vld [tilespmem:$0x1A0];
	_ =	sdelay $0x7  }
0x6d: {  	[tilespmem:v1+s18+$0x0] =	vst.idx.add.f32.msk $0xffff, v0  }
0x6e: {  	v1 =	vld [tilespmem:$0x1B0];
	_ =	sdelay $0x7  }
0x6f: {  	[tilespmem:v1+s18+$0x0] =	vst.idx.add.f32.msk $0xffff, v0  }
0x70: {  	_ =	swait.ge [sflag:s25], $0x2000  }
0x71: {  	[sflag:s25] =	ssyncset.done $0x0  }
0x72: {  	[sflag:s25] =	ssyncadd.s32 $0xFFFFE000  }
0x73: {  	[spmem:s3] =	stream.indirect.scatter.add.f32 [tilespmem:s22], [sflag:$0x3], $0x80, s26, s19, $0xb8;
	[tilespmem:$0x1A580] =	vst v63  }
0x74: {  	_ =	swait.ge [sflag:s17], $0x2000  }
0x75: {  	[sflag:s17] =	ssyncset.done $0x0  }
0x76: {  	[sflag:s17] =	ssyncadd.s32 $0xFFFFE000  }
0x77: {  	_ =	swait.ge [sflag:s23], $0x2000  }
0x78: {  	[sflag:s23] =	ssyncset.done $0x0  }
0x79: {  	[sflag:s23] =	ssyncadd.s32 $0xFFFFE000  }
0x7a: {  	[bflag:$0x0] =	sbarrier.arrive $0xFFFF  }
0x7b: {  	[hbm:s10], [sflag:s8] =	dma.local [spmem:s16], $0x2780  }
0x7c: {  	s29 =	sadd.s32 $0x1, s29;
	_ =	swait.ge [sflag:s17], $0x2780  }
0x7d: {  	p0 =	sne.s32 s29, s12;
	[sflag:s17] =	ssyncset.done $0x0  }
.Ltmp1:
0x7e: {  	[sflag:s17] =	ssyncadd.s32 $0xFFFFD880;
	(pc) =	sbr.rel @p0 .LBB2_1-.Ltmp1, $4  }
0x7f: {  	[hbm4b:s11+s24] =	stream.strided.scatter [tilespmem:s18], [sflag:$0x3], $0x2780, s28, s24, $0x38;
	[tilespmem:$0x1A580] =	vst v63  }
0x80: {  	_ =	swait.ge [sflag:s17], $0x2780  }
0x81: {  	[sflag:s17] =	ssyncset.done $0x0  }
0x82: {  	[sflag:s17] =	ssyncadd.s32 $0xFFFFD880  }
0x83: {  	_ =	sfence.sel $0x180000  }
0x84: {  	[bflag:$0x0] =	sbarrier.arrive $0xFFFF  }
0x85: {  	_ =	strace $0x90000047  }
0x86: {  	[bflag:$0x2] =	sbarrier.arrive $0xFFFF  }
0x87: {  	p0 =	sne.s32 s2, $0x0;
	s0 =	rddreg [dreg:$0x4]  }
0x88: {  	s0 =	sadd.s32 @!p0 $0x100000, s0  }
0x89: {  	[sflag:s0] =	ssyncadd.tile.s32 @!p0 $0x1;
	_ =	shalt  }
.Lfunc_end2:
_tile_overlayer_lowered:
.L_overlay_start_2:
0x8a: {  	(tag) =	ssettag $0x2  }
0x8b: {  	s0 =	rddreg [dreg:$0x0];
	s2 =	stileid.u32  }
0x8c: {  	s1 =	rddreg [dreg:$0x1];
	p0 =	sne.s32 s2, $0x0  }
0x8d: {  	s3 =	rddreg [dreg:$0x2];
	[bflag:$0x3] =	sbarrier.arrive $0xFFFF;
	s2 =	simm.s32 @!p0 $0x1C03  }
0x8e: {  	[timem:s3], [sflag:s2] =	dma.local @!p0 [hbm:s0], s1  }
0x8f: {  	s0 =	simm.s32 @!p0 $0x3  }
0x90: {  	_ =	swait.ge @!p0 [sflag:s0], s1  }
0x91: {  	s1 =	ssub.s32 @!p0 $0x0, s1;
	[sflag:s0] =	ssyncset.done @!p0 $0x0  }
0x92: {  	[sflag:s0] =	ssyncadd.s32 @!p0 s1  }
0x93: {  	[bflag:$0x3] =	sbarrier.arrive $0xFFFF  }
0x94: {  	_ =	shalt  }

</sc_bundles>
